<compile_context>
chip_gen: v7x
topology: tpu7x:2x2x1
jax: 0.10.2.dev20260603
libtpu: 0.0.44.dev20260713+nightly
codegen_flags: <defaults>
</compile_context>

<pallas_src>
import functools

import jax
import jax.numpy as jnp
from jax import lax
from jax.experimental import pallas as pl
from jax.experimental.pallas import tpu as pltpu
from jax.experimental.pallas import tpu_sc as plsc

LABP = 16


def _proj_body(table_ref, w_ref, b_ref, out_ref):
    lab = w_ref.shape[1]
    pad = ((0, 0), (0, LABP - lab))
    w16 = jnp.pad(w_ref[...], pad)
    b16 = jnp.pad(b_ref[...], pad)
    out_ref[...] = (
        jnp.dot(table_ref[...], w16, preferred_element_type=jnp.float32) + b16
    )


def _make_gather(vp, lab, nl, nbt, nc):
    stp = (nl + 7) // 8
    mesh = plsc.VectorSubcoreMesh(core_axis_name="c", subcore_axis_name="s")

    @functools.partial(
        pl.kernel,
        mesh=mesh,
        out_type=jax.ShapeDtypeStruct((lab, stp, nbt, 8, 128), jnp.float32),
        scratch_types=[
            pltpu.VMEM((vp * LABP,), jnp.float32),
            pltpu.VMEM((vp * (LABP + 1),), jnp.float32),
            pltpu.VMEM((128 * nl,), jnp.int32),
            pltpu.VMEM((lab, stp, 8, 128), jnp.float32),
            pltpu.SemaphoreType.DMA,
        ],
        compiler_params=pltpu.CompilerParams(
            use_tc_tiling_on_sc=False,
            needs_layout_passes=False,
            disable_bounds_checks=True,
        ),
    )
    def gather_k(
        ptab_hbm, idx_hbm, out_hbm, ptab16_v, ptab_v, idx_v, comp_v, sem
    ):
        wid = lax.axis_index("s") * nc + lax.axis_index("c")
        n_per_w = 128 * nl
        idx_dma = pltpu.async_copy(
            idx_hbm.at[pl.ds(wid * n_per_w, n_per_w)], idx_v, sem
        )
        pltpu.sync_copy(ptab_hbm, ptab16_v)

        lane = lax.iota(jnp.int32, 16)
        lane_nl = lane * nl

        @plsc.parallel_loop(0, vp, 1, unroll=8)
        def restride(r):
            row = ptab16_v[pl.ds(r * LABP, 16)]
            plsc.store_scatter(ptab_v, [r * (LABP + 1) + lane], row)

        idx_dma.wait()

        def group(v):
            s = v >> 3
            b0 = (v & 7) * 16
            tok = plsc.load_gather(idx_v, [b0 * nl + s + lane_nl])
            a0 = tok * (LABP + 1)
            st = v >> 6
            si = (v >> 3) & 7
            for l in range(lab):
                comp_v[l, st, si, pl.ds(b0, 16)] = plsc.load_gather(
                    ptab_v, [a0 + l]
                )

        plsc.parallel_loop(0, 256, 1, unroll=2)(group)
        head_dma = pltpu.async_copy(
            comp_v.at[:, pl.ds(0, 4)],
            out_hbm.at[:, pl.ds(0, 4), wid, :, :],
            sem,
        )
        plsc.parallel_loop(256, nl * 8, 1, unroll=2)(group)
        head_dma.wait()
        pltpu.sync_copy(
            comp_v.at[:, pl.ds(4, stp - 4)],
            out_hbm.at[:, pl.ds(4, stp - 4), wid, :, :],
        )

    return gather_k


def kernel(text, table, W, b):
    B, L = text.shape
    V, E = table.shape
    LAB = W.shape[1]

    proj = pl.pallas_call(
        _proj_body,
        out_shape=jax.ShapeDtypeStruct((V, LABP), jnp.float32),
    )(table, W, b.reshape(1, LAB))

    info = plsc.get_sparse_core_info()
    assert B == 128 * info.num_cores * info.num_subcores

    idx = text.reshape(B * L).astype(jnp.int32)
    y5 = _make_gather(V, LAB, L, B // 128, info.num_cores)(
        proj.reshape(V * LABP), idx
    )
    y = y5.transpose(2, 4, 1, 3, 0).reshape(B, -1, LAB)
    return y[:, :L, :]

# --- scband reference (transcript-rebuilt; emitter-appended) ---
"""Pipeline reference for scband-base-model-43654047597256 (READ-ONLY COPY).

The authoritative reference and input builder live on the scoring server;
editing this copy changes nothing except your own understanding.
"""

import jax, jax.numpy as jnp
import numpy as np

VOCAB = 1000
EMB = 128
LAB = 10
B = 4096
L = 50


def setup_inputs(seed: int = 0) -> dict:
    key = jax.random.key(seed)
    k1, k2, k3 = jax.random.split(key, 3)
    text = jax.random.randint(k1, (B, L), 0, VOCAB)
    table = jax.random.normal(k2, (VOCAB, EMB), dtype=jnp.float32)
    W = jax.random.normal(k3, (EMB, LAB), dtype=jnp.float32) * 0.05
    b = jnp.zeros((LAB,), dtype=jnp.float32)
    return {"text": text, "table": table, "W": W, "b": b}


def reference(text, table, W, b):
    # emb = self.embedding(batch.text)  -> gather rows of the embedding table
    emb = jnp.take(table, text, axis=0)  # [B, L, EMB]
    # preds = self.linear_layer(emb)
    preds = emb @ W + b  # [B, L, LAB]
    return preds

if __name__ == "__main__":
    import jax
    _d = setup_inputs()
    print(jax.jit(kernel)(*tuple(_d.values())))

</pallas_src>

<mosaic_0001>
#map = affine_map<(d0, d1) -> (0)>
#map1 = affine_map<(d0, d1) -> (0, 0, 0, 0, 0)>
module attributes {stable_mosaic.version = 14 : i64} {
  func.func @gather_k(%arg0: i32, %arg1: i32, %arg2: memref<16000xf32, #tpu.memory_space<hbm>>, %arg3: memref<204800xi32, #tpu.memory_space<hbm>>, %arg4: memref<10x7x32x8x128xf32, #tpu.memory_space<hbm>>, %arg5: memref<16000xf32, #tpu.memory_space<vmem>>, %arg6: memref<17000xf32, #tpu.memory_space<vmem>>, %arg7: memref<6400xi32, #tpu.memory_space<vmem>>, %arg8: memref<10x7x8x128xf32, #tpu.memory_space<vmem>>, %arg9: memref<!tpu.dma_semaphore, #tpu.memory_space<semaphore_mem>>) attributes {dimension_semantics = [#tpu.dimension_semantics<core_parallel>, #tpu.dimension_semantics<subcore_parallel>], iteration_bounds = array<i64: 2, 16>, scalar_prefetch = 0 : i64, scratch_operands = 5 : i64, tpu.core_type = #tpu.core_type<sc_vector_subcore>, window_params = [{transform_indices = #map}, {transform_indices = #map}, {transform_indices = #map1}]} {
    %mul3A = arith.constant 2 : i32
    %mul3A_0 = arith.muli %arg1, %mul3A : i32
    %add3A = arith.addi %mul3A_0, %arg0 : i32
    %mul3A_1 = arith.constant 6400 : i32
    %mul3A_2 = arith.muli %add3A, %mul3A_1 : i32
    %dma_start3A = tpu.memref_slice %arg3[%mul3A_2] : memref<204800xi32, #tpu.memory_space<hbm>> -> memref<6400xi32, #tpu.memory_space<hbm>>
    %dma_start3A_3 = tpu.memref_slice %arg3[%mul3A_2] : memref<204800xi32, #tpu.memory_space<hbm>> -> memref<6400xi32, #tpu.memory_space<hbm>>
    tpu.enqueue_dma source(%dma_start3A_3 : memref<6400xi32, #tpu.memory_space<hbm>>) target(%arg7 : memref<6400xi32, #tpu.memory_space<vmem>>) target_semaphore(%arg9 : memref<!tpu.dma_semaphore, #tpu.memory_space<semaphore_mem>>)
    "tpu.region"() ({
      %run_scoped3A = tpu.sem_alloc : memref<!tpu.dma_semaphore, #tpu.memory_space<semaphore_mem>>
      tpu.enqueue_dma source(%arg2 : memref<16000xf32, #tpu.memory_space<hbm>>) target(%arg5 : memref<16000xf32, #tpu.memory_space<vmem>>) target_semaphore(%run_scoped3A : memref<!tpu.dma_semaphore, #tpu.memory_space<semaphore_mem>>)
      tpu.wait_dma2 semaphore(%run_scoped3A : memref<!tpu.dma_semaphore, #tpu.memory_space<semaphore_mem>>) src(%arg2 : memref<16000xf32, #tpu.memory_space<hbm>>) dst(%arg5 : memref<16000xf32, #tpu.memory_space<vmem>>)
      tpu.yield
    }) : () -> ()
    %iota3A = tpu.iota {dimensions = array<i32: 0>} : vector<16xi32>
    %mul3A_4 = arith.constant 50 : i32
    %mul3A_5 = vector.broadcast %mul3A_4 : i32 to vector<16xi32>
    %mul3A_6 = arith.muli %iota3A, %mul3A_5 : vector<16xi32>
    %parallel_loop3A = arith.constant 0 : i32
    %parallel_loop3A_7 = arith.constant 1000 : i32
    %parallel_loop3A_8 = arith.constant 1 : i32
    scf.for %parallel_loop3A_60 = %parallel_loop3A to %parallel_loop3A_7 step %parallel_loop3A_8  : i32 {
      %parallel_loop3A_61 = arith.constant 16 : i32
      %parallel_loop3A_62 = arith.muli %parallel_loop3A_60, %parallel_loop3A_61 : i32
      %parallel_loop3A_63 = arith.index_cast %parallel_loop3A_62 : i32 to index
      %parallel_loop3A_64 = tpu.vector_load %arg5[%parallel_loop3A_63] {strides = array<i32>} : memref<16000xf32, #tpu.memory_space<vmem>>, vector<16xf32>,
      %parallel_loop3A_65 = arith.constant 17 : i32
      %parallel_loop3A_66 = arith.muli %parallel_loop3A_60, %parallel_loop3A_65 : i32
      %parallel_loop3A_67 = vector.broadcast %parallel_loop3A_66 : i32 to vector<16xi32>
      %parallel_loop3A_68 = arith.addi %parallel_loop3A_67, %iota3A : vector<16xi32>
      tpu.vector_store_idx %arg6[%parallel_loop3A_68], %parallel_loop3A_64 : memref<17000xf32, #tpu.memory_space<vmem>>[vector<16xi32>], vector<16xf32>,
    } {sc.loop_unroll_factor = 8 : i64, sc.parallel_access}
    %dma_wait3A = tpu.memref_slice %arg3[%mul3A_2] : memref<204800xi32, #tpu.memory_space<hbm>> -> memref<6400xi32, #tpu.memory_space<hbm>>
    %dma_wait3A_9 = tpu.memref_slice %arg3[%mul3A_2] : memref<204800xi32, #tpu.memory_space<hbm>> -> memref<6400xi32, #tpu.memory_space<hbm>>
    tpu.wait_dma2 semaphore(%arg9 : memref<!tpu.dma_semaphore, #tpu.memory_space<semaphore_mem>>) src(%dma_wait3A_9 : memref<6400xi32, #tpu.memory_space<hbm>>) dst(%arg7 : memref<6400xi32, #tpu.memory_space<vmem>>)
    %parallel_loop3A_10 = arith.constant 0 : i32
    %parallel_loop3A_11 = arith.constant 256 : i32
    %parallel_loop3A_12 = arith.constant 1 : i32
    scf.for %parallel_loop3A_60 = %parallel_loop3A_10 to %parallel_loop3A_11 step %parallel_loop3A_12  : i32 {
      %parallel_loop3A_61 = arith.constant 3 : i32
      %parallel_loop3A_62 = arith.shrsi %parallel_loop3A_60, %parallel_loop3A_61 : i32
      %parallel_loop3A_63 = arith.constant 7 : i32
      %parallel_loop3A_64 = arith.andi %parallel_loop3A_60, %parallel_loop3A_63 : i32
      %parallel_loop3A_65 = arith.constant 16 : i32
      %parallel_loop3A_66 = arith.muli %parallel_loop3A_64, %parallel_loop3A_65 : i32
      %parallel_loop3A_67 = arith.constant 50 : i32
      %parallel_loop3A_68 = arith.muli %parallel_loop3A_66, %parallel_loop3A_67 : i32
      %parallel_loop3A_69 = arith.addi %parallel_loop3A_68, %parallel_loop3A_62 : i32
      %parallel_loop3A_70 = vector.broadcast %parallel_loop3A_69 : i32 to vector<16xi32>
      %parallel_loop3A_71 = arith.addi %parallel_loop3A_70, %mul3A_6 : vector<16xi32>
      %parallel_loop3A_72 = tpu.vector_load_idx %arg7[%parallel_loop3A_71] : memref<6400xi32, #tpu.memory_space<vmem>>[vector<16xi32>], vector<16xi32>,
      %parallel_loop3A_73 = arith.constant 17 : i32
      %parallel_loop3A_74 = vector.broadcast %parallel_loop3A_73 : i32 to vector<16xi32>
      %parallel_loop3A_75 = arith.muli %parallel_loop3A_72, %parallel_loop3A_74 : vector<16xi32>
      %parallel_loop3A_76 = arith.constant 6 : i32
      %parallel_loop3A_77 = arith.shrsi %parallel_loop3A_60, %parallel_loop3A_76 : i32
      %parallel_loop3A_78 = arith.constant 3 : i32
      %parallel_loop3A_79 = arith.shrsi %parallel_loop3A_60, %parallel_loop3A_78 : i32
      %parallel_loop3A_80 = arith.constant 7 : i32
      %parallel_loop3A_81 = arith.andi %parallel_loop3A_79, %parallel_loop3A_80 : i32
      %parallel_loop3A_82 = arith.constant 0 : i32
      %parallel_loop3A_83 = vector.broadcast %parallel_loop3A_82 : i32 to vector<16xi32>
      %parallel_loop3A_84 = arith.addi %parallel_loop3A_75, %parallel_loop3A_83 : vector<16xi32>
      %parallel_loop3A_85 = tpu.vector_load_idx %arg6[%parallel_loop3A_84] : memref<17000xf32, #tpu.memory_space<vmem>>[vector<16xi32>], vector<16xf32>,
      %parallel_loop3A_86 = arith.constant 0 : i32
      %parallel_loop3A_87 = arith.index_cast %parallel_loop3A_86 : i32 to index
      %parallel_loop3A_88 = arith.index_cast %parallel_loop3A_77 : i32 to index
      %parallel_loop3A_89 = arith.index_cast %parallel_loop3A_81 : i32 to index
      %parallel_loop3A_90 = arith.index_cast %parallel_loop3A_66 : i32 to index
      %parallel_loop3A_91 = tpu.vector_load %arg8[%parallel_loop3A_87, %parallel_loop3A_88, %parallel_loop3A_89, %parallel_loop3A_90] {strides = array<i32>} : memref<10x7x8x128xf32, #tpu.memory_space<vmem>>, vector<16xf32>,
      tpu.vector_store %arg8[%parallel_loop3A_87, %parallel_loop3A_88, %parallel_loop3A_89, %parallel_loop3A_90], %parallel_loop3A_85 {strides = array<i32>} : memref<10x7x8x128xf32, #tpu.memory_space<vmem>>, vector<16xf32>,
      %parallel_loop3A_92 = arith.constant 1 : i32
      %parallel_loop3A_93 = vector.broadcast %parallel_loop3A_92 : i32 to vector<16xi32>
      %parallel_loop3A_94 = arith.addi %parallel_loop3A_75, %parallel_loop3A_93 : vector<16xi32>
      %parallel_loop3A_95 = tpu.vector_load_idx %arg6[%parallel_loop3A_94] : memref<17000xf32, #tpu.memory_space<vmem>>[vector<16xi32>], vector<16xf32>,
      %parallel_loop3A_96 = arith.constant 1 : i32
      %parallel_loop3A_97 = arith.index_cast %parallel_loop3A_96 : i32 to index
      %parallel_loop3A_98 = arith.index_cast %parallel_loop3A_77 : i32 to index
      %parallel_loop3A_99 = arith.index_cast %parallel_loop3A_81 : i32 to index
      %parallel_loop3A_100 = arith.index_cast %parallel_loop3A_66 : i32 to index
      %parallel_loop3A_101 = tpu.vector_load %arg8[%parallel_loop3A_97, %parallel_loop3A_98, %parallel_loop3A_99, %parallel_loop3A_100] {strides = array<i32>} : memref<10x7x8x128xf32, #tpu.memory_space<vmem>>, vector<16xf32>,
      tpu.vector_store %arg8[%parallel_loop3A_97, %parallel_loop3A_98, %parallel_loop3A_99, %parallel_loop3A_100], %parallel_loop3A_95 {strides = array<i32>} : memref<10x7x8x128xf32, #tpu.memory_space<vmem>>, vector<16xf32>,
      %parallel_loop3A_102 = arith.constant 2 : i32
      %parallel_loop3A_103 = vector.broadcast %parallel_loop3A_102 : i32 to vector<16xi32>
      %parallel_loop3A_104 = arith.addi %parallel_loop3A_75, %parallel_loop3A_103 : vector<16xi32>
      %parallel_loop3A_105 = tpu.vector_load_idx %arg6[%parallel_loop3A_104] : memref<17000xf32, #tpu.memory_space<vmem>>[vector<16xi32>], vector<16xf32>,
      %parallel_loop3A_106 = arith.constant 2 : i32
      %parallel_loop3A_107 = arith.index_cast %parallel_loop3A_106 : i32 to index
      %parallel_loop3A_108 = arith.index_cast %parallel_loop3A_77 : i32 to index
      %parallel_loop3A_109 = arith.index_cast %parallel_loop3A_81 : i32 to index
      %parallel_loop3A_110 = arith.index_cast %parallel_loop3A_66 : i32 to index
      %parallel_loop3A_111 = tpu.vector_load %arg8[%parallel_loop3A_107, %parallel_loop3A_108, %parallel_loop3A_109, %parallel_loop3A_110] {strides = array<i32>} : memref<10x7x8x128xf32, #tpu.memory_space<vmem>>, vector<16xf32>,
      tpu.vector_store %arg8[%parallel_loop3A_107, %parallel_loop3A_108, %parallel_loop3A_109, %parallel_loop3A_110], %parallel_loop3A_105 {strides = array<i32>} : memref<10x7x8x128xf32, #tpu.memory_space<vmem>>, vector<16xf32>,
      %parallel_loop3A_112 = arith.constant 3 : i32
      %parallel_loop3A_113 = vector.broadcast %parallel_loop3A_112 : i32 to vector<16xi32>
      %parallel_loop3A_114 = arith.addi %parallel_loop3A_75, %parallel_loop3A_113 : vector<16xi32>
      %parallel_loop3A_115 = tpu.vector_load_idx %arg6[%parallel_loop3A_114] : memref<17000xf32, #tpu.memory_space<vmem>>[vector<16xi32>], vector<16xf32>,
      %parallel_loop3A_116 = arith.constant 3 : i32
      %parallel_loop3A_117 = arith.index_cast %parallel_loop3A_116 : i32 to index
      %parallel_loop3A_118 = arith.index_cast %parallel_loop3A_77 : i32 to index
      %parallel_loop3A_119 = arith.index_cast %parallel_loop3A_81 : i32 to index
      %parallel_loop3A_120 = arith.index_cast %parallel_loop3A_66 : i32 to index
      %parallel_loop3A_121 = tpu.vector_load %arg8[%parallel_loop3A_117, %parallel_loop3A_118, %parallel_loop3A_119, %parallel_loop3A_120] {strides = array<i32>} : memref<10x7x8x128xf32, #tpu.memory_space<vmem>>, vector<16xf32>,
      tpu.vector_store %arg8[%parallel_loop3A_117, %parallel_loop3A_118, %parallel_loop3A_119, %parallel_loop3A_120], %parallel_loop3A_115 {strides = array<i32>} : memref<10x7x8x128xf32, #tpu.memory_space<vmem>>, vector<16xf32>,
      %parallel_loop3A_122 = arith.constant 4 : i32
      %parallel_loop3A_123 = vector.broadcast %parallel_loop3A_122 : i32 to vector<16xi32>
      %parallel_loop3A_124 = arith.addi %parallel_loop3A_75, %parallel_loop3A_123 : vector<16xi32>
      %parallel_loop3A_125 = tpu.vector_load_idx %arg6[%parallel_loop3A_124] : memref<17000xf32, #tpu.memory_space<vmem>>[vector<16xi32>], vector<16xf32>,
      %parallel_loop3A_126 = arith.constant 4 : i32
      %parallel_loop3A_127 = arith.index_cast %parallel_loop3A_126 : i32 to index
      %parallel_loop3A_128 = arith.index_cast %parallel_loop3A_77 : i32 to index
      %parallel_loop3A_129 = arith.index_cast %parallel_loop3A_81 : i32 to index
      %parallel_loop3A_130 = arith.index_cast %parallel_loop3A_66 : i32 to index
      %parallel_loop3A_131 = tpu.vector_load %arg8[%parallel_loop3A_127, %parallel_loop3A_128, %parallel_loop3A_129, %parallel_loop3A_130] {strides = array<i32>} : memref<10x7x8x128xf32, #tpu.memory_space<vmem>>, vector<16xf32>,
      tpu.vector_store %arg8[%parallel_loop3A_127, %parallel_loop3A_128, %parallel_loop3A_129, %parallel_loop3A_130], %parallel_loop3A_125 {strides = array<i32>} : memref<10x7x8x128xf32, #tpu.memory_space<vmem>>, vector<16xf32>,
      %parallel_loop3A_132 = arith.constant 5 : i32
      %parallel_loop3A_133 = vector.broadcast %parallel_loop3A_132 : i32 to vector<16xi32>
      %parallel_loop3A_134 = arith.addi %parallel_loop3A_75, %parallel_loop3A_133 : vector<16xi32>
      %parallel_loop3A_135 = tpu.vector_load_idx %arg6[%parallel_loop3A_134] : memref<17000xf32, #tpu.memory_space<vmem>>[vector<16xi32>], vector<16xf32>,
      %parallel_loop3A_136 = arith.constant 5 : i32
      %parallel_loop3A_137 = arith.index_cast %parallel_loop3A_136 : i32 to index
      %parallel_loop3A_138 = arith.index_cast %parallel_loop3A_77 : i32 to index
      %parallel_loop3A_139 = arith.index_cast %parallel_loop3A_81 : i32 to index
      %parallel_loop3A_140 = arith.index_cast %parallel_loop3A_66 : i32 to index
      %parallel_loop3A_141 = tpu.vector_load %arg8[%parallel_loop3A_137, %parallel_loop3A_138, %parallel_loop3A_139, %parallel_loop3A_140] {strides = array<i32>} : memref<10x7x8x128xf32, #tpu.memory_space<vmem>>, vector<16xf32>,
      tpu.vector_store %arg8[%parallel_loop3A_137, %parallel_loop3A_138, %parallel_loop3A_139, %parallel_loop3A_140], %parallel_loop3A_135 {strides = array<i32>} : memref<10x7x8x128xf32, #tpu.memory_space<vmem>>, vector<16xf32>,
      %parallel_loop3A_142 = arith.constant 6 : i32
      %parallel_loop3A_143 = vector.broadcast %parallel_loop3A_142 : i32 to vector<16xi32>
      %parallel_loop3A_144 = arith.addi %parallel_loop3A_75, %parallel_loop3A_143 : vector<16xi32>
      %parallel_loop3A_145 = tpu.vector_load_idx %arg6[%parallel_loop3A_144] : memref<17000xf32, #tpu.memory_space<vmem>>[vector<16xi32>], vector<16xf32>,
      %parallel_loop3A_146 = arith.constant 6 : i32
      %parallel_loop3A_147 = arith.index_cast %parallel_loop3A_146 : i32 to index
      %parallel_loop3A_148 = arith.index_cast %parallel_loop3A_77 : i32 to index
      %parallel_loop3A_149 = arith.index_cast %parallel_loop3A_81 : i32 to index
      %parallel_loop3A_150 = arith.index_cast %parallel_loop3A_66 : i32 to index
      %parallel_loop3A_151 = tpu.vector_load %arg8[%parallel_loop3A_147, %parallel_loop3A_148, %parallel_loop3A_149, %parallel_loop3A_150] {strides = array<i32>} : memref<10x7x8x128xf32, #tpu.memory_space<vmem>>, vector<16xf32>,
      tpu.vector_store %arg8[%parallel_loop3A_147, %parallel_loop3A_148, %parallel_loop3A_149, %parallel_loop3A_150], %parallel_loop3A_145 {strides = array<i32>} : memref<10x7x8x128xf32, #tpu.memory_space<vmem>>, vector<16xf32>,
      %parallel_loop3A_152 = arith.constant 7 : i32
      %parallel_loop3A_153 = vector.broadcast %parallel_loop3A_152 : i32 to vector<16xi32>
      %parallel_loop3A_154 = arith.addi %parallel_loop3A_75, %parallel_loop3A_153 : vector<16xi32>
      %parallel_loop3A_155 = tpu.vector_load_idx %arg6[%parallel_loop3A_154] : memref<17000xf32, #tpu.memory_space<vmem>>[vector<16xi32>], vector<16xf32>,
      %parallel_loop3A_156 = arith.constant 7 : i32
      %parallel_loop3A_157 = arith.index_cast %parallel_loop3A_156 : i32 to index
      %parallel_loop3A_158 = arith.index_cast %parallel_loop3A_77 : i32 to index
      %parallel_loop3A_159 = arith.index_cast %parallel_loop3A_81 : i32 to index
      %parallel_loop3A_160 = arith.index_cast %parallel_loop3A_66 : i32 to index
      %parallel_loop3A_161 = tpu.vector_load %arg8[%parallel_loop3A_157, %parallel_loop3A_158, %parallel_loop3A_159, %parallel_loop3A_160] {strides = array<i32>} : memref<10x7x8x128xf32, #tpu.memory_space<vmem>>, vector<16xf32>,
      tpu.vector_store %arg8[%parallel_loop3A_157, %parallel_loop3A_158, %parallel_loop3A_159, %parallel_loop3A_160], %parallel_loop3A_155 {strides = array<i32>} : memref<10x7x8x128xf32, #tpu.memory_space<vmem>>, vector<16xf32>,
      %parallel_loop3A_162 = arith.constant 8 : i32
      %parallel_loop3A_163 = vector.broadcast %parallel_loop3A_162 : i32 to vector<16xi32>
      %parallel_loop3A_164 = arith.addi %parallel_loop3A_75, %parallel_loop3A_163 : vector<16xi32>
      %parallel_loop3A_165 = tpu.vector_load_idx %arg6[%parallel_loop3A_164] : memref<17000xf32, #tpu.memory_space<vmem>>[vector<16xi32>], vector<16xf32>,
      %parallel_loop3A_166 = arith.constant 8 : i32
      %parallel_loop3A_167 = arith.index_cast %parallel_loop3A_166 : i32 to index
      %parallel_loop3A_168 = arith.index_cast %parallel_loop3A_77 : i32 to index
      %parallel_loop3A_169 = arith.index_cast %parallel_loop3A_81 : i32 to index
      %parallel_loop3A_170 = arith.index_cast %parallel_loop3A_66 : i32 to index
      %parallel_loop3A_171 = tpu.vector_load %arg8[%parallel_loop3A_167, %parallel_loop3A_168, %parallel_loop3A_169, %parallel_loop3A_170] {strides = array<i32>} : memref<10x7x8x128xf32, #tpu.memory_space<vmem>>, vector<16xf32>,
      tpu.vector_store %arg8[%parallel_loop3A_167, %parallel_loop3A_168, %parallel_loop3A_169, %parallel_loop3A_170], %parallel_loop3A_165 {strides = array<i32>} : memref<10x7x8x128xf32, #tpu.memory_space<vmem>>, vector<16xf32>,
      %parallel_loop3A_172 = arith.constant 9 : i32
      %parallel_loop3A_173 = vector.broadcast %parallel_loop3A_172 : i32 to vector<16xi32>
      %parallel_loop3A_174 = arith.addi %parallel_loop3A_75, %parallel_loop3A_173 : vector<16xi32>
      %parallel_loop3A_175 = tpu.vector_load_idx %arg6[%parallel_loop3A_174] : memref<17000xf32, #tpu.memory_space<vmem>>[vector<16xi32>], vector<16xf32>,
      %parallel_loop3A_176 = arith.constant 9 : i32
      %parallel_loop3A_177 = arith.index_cast %parallel_loop3A_176 : i32 to index
      %parallel_loop3A_178 = arith.index_cast %parallel_loop3A_77 : i32 to index
      %parallel_loop3A_179 = arith.index_cast %parallel_loop3A_81 : i32 to index
      %parallel_loop3A_180 = arith.index_cast %parallel_loop3A_66 : i32 to index
      %parallel_loop3A_181 = tpu.vector_load %arg8[%parallel_loop3A_177, %parallel_loop3A_178, %parallel_loop3A_179, %parallel_loop3A_180] {strides = array<i32>} : memref<10x7x8x128xf32, #tpu.memory_space<vmem>>, vector<16xf32>,
      tpu.vector_store %arg8[%parallel_loop3A_177, %parallel_loop3A_178, %parallel_loop3A_179, %parallel_loop3A_180], %parallel_loop3A_175 {strides = array<i32>} : memref<10x7x8x128xf32, #tpu.memory_space<vmem>>, vector<16xf32>,
    } {sc.loop_unroll_factor = 2 : i64, sc.parallel_access}
    %dma_start3A_13 = arith.constant 0 : i32
    %dma_start3A_14 = arith.constant 0 : i32
    %dma_start3A_15 = arith.constant 0 : i32
    %dma_start3A_16 = arith.constant 0 : i32
    %dma_start3A_17 = tpu.memref_slice %arg8[%dma_start3A_13, %dma_start3A_14, %dma_start3A_15, %dma_start3A_16] : memref<10x7x8x128xf32, #tpu.memory_space<vmem>> -> memref<10x4x8x128xf32, #tpu.memory_space<vmem>>
    %dma_start3A_18 = arith.constant 0 : i32
    %dma_start3A_19 = arith.constant 0 : i32
    %dma_start3A_20 = arith.constant 0 : i32
    %dma_start3A_21 = arith.constant 0 : i32
    %dma_start3A_22 = tpu.memref_slice %arg4[%dma_start3A_18, %dma_start3A_19, %add3A, %dma_start3A_20, %dma_start3A_21] : memref<10x7x32x8x128xf32, #tpu.memory_space<hbm>> -> memref<10x4x1x8x128xf32, #tpu.memory_space<hbm>>
    %dma_start3A_23 = tpu.memref_squeeze %dma_start3A_22 : memref<10x4x1x8x128xf32, #tpu.memory_space<hbm>> -> memref<10x4x8x128xf32, #tpu.memory_space<hbm>>
    %dma_start3A_24 = arith.constant 0 : i32
    %dma_start3A_25 = arith.constant 0 : i32
    %dma_start3A_26 = arith.constant 0 : i32
    %dma_start3A_27 = arith.constant 0 : i32
    %dma_start3A_28 = tpu.memref_slice %arg4[%dma_start3A_24, %dma_start3A_25, %add3A, %dma_start3A_26, %dma_start3A_27] : memref<10x7x32x8x128xf32, #tpu.memory_space<hbm>> -> memref<10x4x1x8x128xf32, #tpu.memory_space<hbm>>
    %dma_start3A_29 = tpu.memref_squeeze %dma_start3A_28 : memref<10x4x1x8x128xf32, #tpu.memory_space<hbm>> -> memref<10x4x8x128xf32, #tpu.memory_space<hbm>>
    %dma_start3A_30 = arith.constant 0 : i32
    %dma_start3A_31 = arith.constant 0 : i32
    %dma_start3A_32 = arith.constant 0 : i32
    %dma_start3A_33 = arith.constant 0 : i32
    %dma_start3A_34 = tpu.memref_slice %arg8[%dma_start3A_30, %dma_start3A_31, %dma_start3A_32, %dma_start3A_33] : memref<10x7x8x128xf32, #tpu.memory_space<vmem>> -> memref<10x4x8x128xf32, #tpu.memory_space<vmem>>
    tpu.enqueue_dma source(%dma_start3A_34 : memref<10x4x8x128xf32, #tpu.memory_space<vmem>>) target(%dma_start3A_29 : memref<10x4x8x128xf32, #tpu.memory_space<hbm>>) target_semaphore(%arg9 : memref<!tpu.dma_semaphore, #tpu.memory_space<semaphore_mem>>)
    %parallel_loop3A_35 = arith.constant 256 : i32
    %parallel_loop3A_36 = arith.constant 400 : i32
    %parallel_loop3A_37 = arith.constant 1 : i32
    scf.for %parallel_loop3A_60 = %parallel_loop3A_35 to %parallel_loop3A_36 step %parallel_loop3A_37  : i32 {
      %parallel_loop3A_61 = arith.constant 3 : i32
      %parallel_loop3A_62 = arith.shrsi %parallel_loop3A_60, %parallel_loop3A_61 : i32
      %parallel_loop3A_63 = arith.constant 7 : i32
      %parallel_loop3A_64 = arith.andi %parallel_loop3A_60, %parallel_loop3A_63 : i32
      %parallel_loop3A_65 = arith.constant 16 : i32
      %parallel_loop3A_66 = arith.muli %parallel_loop3A_64, %parallel_loop3A_65 : i32
      %parallel_loop3A_67 = arith.constant 50 : i32
      %parallel_loop3A_68 = arith.muli %parallel_loop3A_66, %parallel_loop3A_67 : i32
      %parallel_loop3A_69 = arith.addi %parallel_loop3A_68, %parallel_loop3A_62 : i32
      %parallel_loop3A_70 = vector.broadcast %parallel_loop3A_69 : i32 to vector<16xi32>
      %parallel_loop3A_71 = arith.addi %parallel_loop3A_70, %mul3A_6 : vector<16xi32>
      %parallel_loop3A_72 = tpu.vector_load_idx %arg7[%parallel_loop3A_71] : memref<6400xi32, #tpu.memory_space<vmem>>[vector<16xi32>], vector<16xi32>,
      %parallel_loop3A_73 = arith.constant 17 : i32
      %parallel_loop3A_74 = vector.broadcast %parallel_loop3A_73 : i32 to vector<16xi32>
      %parallel_loop3A_75 = arith.muli %parallel_loop3A_72, %parallel_loop3A_74 : vector<16xi32>
      %parallel_loop3A_76 = arith.constant 6 : i32
      %parallel_loop3A_77 = arith.shrsi %parallel_loop3A_60, %parallel_loop3A_76 : i32
      %parallel_loop3A_78 = arith.constant 3 : i32
      %parallel_loop3A_79 = arith.shrsi %parallel_loop3A_60, %parallel_loop3A_78 : i32
      %parallel_loop3A_80 = arith.constant 7 : i32
      %parallel_loop3A_81 = arith.andi %parallel_loop3A_79, %parallel_loop3A_80 : i32
      %parallel_loop3A_82 = arith.constant 0 : i32
      %parallel_loop3A_83 = vector.broadcast %parallel_loop3A_82 : i32 to vector<16xi32>
      %parallel_loop3A_84 = arith.addi %parallel_loop3A_75, %parallel_loop3A_83 : vector<16xi32>
      %parallel_loop3A_85 = tpu.vector_load_idx %arg6[%parallel_loop3A_84] : memref<17000xf32, #tpu.memory_space<vmem>>[vector<16xi32>], vector<16xf32>,
      %parallel_loop3A_86 = arith.constant 0 : i32
      %parallel_loop3A_87 = arith.index_cast %parallel_loop3A_86 : i32 to index
      %parallel_loop3A_88 = arith.index_cast %parallel_loop3A_77 : i32 to index
      %parallel_loop3A_89 = arith.index_cast %parallel_loop3A_81 : i32 to index
      %parallel_loop3A_90 = arith.index_cast %parallel_loop3A_66 : i32 to index
      %parallel_loop3A_91 = tpu.vector_load %arg8[%parallel_loop3A_87, %parallel_loop3A_88, %parallel_loop3A_89, %parallel_loop3A_90] {strides = array<i32>} : memref<10x7x8x128xf32, #tpu.memory_space<vmem>>, vector<16xf32>,
      tpu.vector_store %arg8[%parallel_loop3A_87, %parallel_loop3A_88, %parallel_loop3A_89, %parallel_loop3A_90], %parallel_loop3A_85 {strides = array<i32>} : memref<10x7x8x128xf32, #tpu.memory_space<vmem>>, vector<16xf32>,
      %parallel_loop3A_92 = arith.constant 1 : i32
      %parallel_loop3A_93 = vector.broadcast %parallel_loop3A_92 : i32 to vector<16xi32>
      %parallel_loop3A_94 = arith.addi %parallel_loop3A_75, %parallel_loop3A_93 : vector<16xi32>
      %parallel_loop3A_95 = tpu.vector_load_idx %arg6[%parallel_loop3A_94] : memref<17000xf32, #tpu.memory_space<vmem>>[vector<16xi32>], vector<16xf32>,
      %parallel_loop3A_96 = arith.constant 1 : i32
      %parallel_loop3A_97 = arith.index_cast %parallel_loop3A_96 : i32 to index
      %parallel_loop3A_98 = arith.index_cast %parallel_loop3A_77 : i32 to index
      %parallel_loop3A_99 = arith.index_cast %parallel_loop3A_81 : i32 to index
      %parallel_loop3A_100 = arith.index_cast %parallel_loop3A_66 : i32 to index
      %parallel_loop3A_101 = tpu.vector_load %arg8[%parallel_loop3A_97, %parallel_loop3A_98, %parallel_loop3A_99, %parallel_loop3A_100] {strides = array<i32>} : memref<10x7x8x128xf32, #tpu.memory_space<vmem>>, vector<16xf32>,
      tpu.vector_store %arg8[%parallel_loop3A_97, %parallel_loop3A_98, %parallel_loop3A_99, %parallel_loop3A_100], %parallel_loop3A_95 {strides = array<i32>} : memref<10x7x8x128xf32, #tpu.memory_space<vmem>>, vector<16xf32>,
      %parallel_loop3A_102 = arith.constant 2 : i32
      %parallel_loop3A_103 = vector.broadcast %parallel_loop3A_102 : i32 to vector<16xi32>
      %parallel_loop3A_104 = arith.addi %parallel_loop3A_75, %parallel_loop3A_103 : vector<16xi32>
      %parallel_loop3A_105 = tpu.vector_load_idx %arg6[%parallel_loop3A_104] : memref<17000xf32, #tpu.memory_space<vmem>>[vector<16xi32>], vector<16xf32>,
      %parallel_loop3A_106 = arith.constant 2 : i32
      %parallel_loop3A_107 = arith.index_cast %parallel_loop3A_106 : i32 to index
      %parallel_loop3A_108 = arith.index_cast %parallel_loop3A_77 : i32 to index
      %parallel_loop3A_109 = arith.index_cast %parallel_loop3A_81 : i32 to index
      %parallel_loop3A_110 = arith.index_cast %parallel_loop3A_66 : i32 to index
      %parallel_loop3A_111 = tpu.vector_load %arg8[%parallel_loop3A_107, %parallel_loop3A_108, %parallel_loop3A_109, %parallel_loop3A_110] {strides = array<i32>} : memref<10x7x8x128xf32, #tpu.memory_space<vmem>>, vector<16xf32>,
      tpu.vector_store %arg8[%parallel_loop3A_107, %parallel_loop3A_108, %parallel_loop3A_109, %parallel_loop3A_110], %parallel_loop3A_105 {strides = array<i32>} : memref<10x7x8x128xf32, #tpu.memory_space<vmem>>, vector<16xf32>,
      %parallel_loop3A_112 = arith.constant 3 : i32
      %parallel_loop3A_113 = vector.broadcast %parallel_loop3A_112 : i32 to vector<16xi32>
      %parallel_loop3A_114 = arith.addi %parallel_loop3A_75, %parallel_loop3A_113 : vector<16xi32>
      %parallel_loop3A_115 = tpu.vector_load_idx %arg6[%parallel_loop3A_114] : memref<17000xf32, #tpu.memory_space<vmem>>[vector<16xi32>], vector<16xf32>,
      %parallel_loop3A_116 = arith.constant 3 : i32
      %parallel_loop3A_117 = arith.index_cast %parallel_loop3A_116 : i32 to index
      %parallel_loop3A_118 = arith.index_cast %parallel_loop3A_77 : i32 to index
      %parallel_loop3A_119 = arith.index_cast %parallel_loop3A_81 : i32 to index
      %parallel_loop3A_120 = arith.index_cast %parallel_loop3A_66 : i32 to index
      %parallel_loop3A_121 = tpu.vector_load %arg8[%parallel_loop3A_117, %parallel_loop3A_118, %parallel_loop3A_119, %parallel_loop3A_120] {strides = array<i32>} : memref<10x7x8x128xf32, #tpu.memory_space<vmem>>, vector<16xf32>,
      tpu.vector_store %arg8[%parallel_loop3A_117, %parallel_loop3A_118, %parallel_loop3A_119, %parallel_loop3A_120], %parallel_loop3A_115 {strides = array<i32>} : memref<10x7x8x128xf32, #tpu.memory_space<vmem>>, vector<16xf32>,
      %parallel_loop3A_122 = arith.constant 4 : i32
      %parallel_loop3A_123 = vector.broadcast %parallel_loop3A_122 : i32 to vector<16xi32>
      %parallel_loop3A_124 = arith.addi %parallel_loop3A_75, %parallel_loop3A_123 : vector<16xi32>
      %parallel_loop3A_125 = tpu.vector_load_idx %arg6[%parallel_loop3A_124] : memref<17000xf32, #tpu.memory_space<vmem>>[vector<16xi32>], vector<16xf32>,
      %parallel_loop3A_126 = arith.constant 4 : i32
      %parallel_loop3A_127 = arith.index_cast %parallel_loop3A_126 : i32 to index
      %parallel_loop3A_128 = arith.index_cast %parallel_loop3A_77 : i32 to index
      %parallel_loop3A_129 = arith.index_cast %parallel_loop3A_81 : i32 to index
      %parallel_loop3A_130 = arith.index_cast %parallel_loop3A_66 : i32 to index
      %parallel_loop3A_131 = tpu.vector_load %arg8[%parallel_loop3A_127, %parallel_loop3A_128, %parallel_loop3A_129, %parallel_loop3A_130] {strides = array<i32>} : memref<10x7x8x128xf32, #tpu.memory_space<vmem>>, vector<16xf32>,
      tpu.vector_store %arg8[%parallel_loop3A_127, %parallel_loop3A_128, %parallel_loop3A_129, %parallel_loop3A_130], %parallel_loop3A_125 {strides = array<i32>} : memref<10x7x8x128xf32, #tpu.memory_space<vmem>>, vector<16xf32>,
      %parallel_loop3A_132 = arith.constant 5 : i32
      %parallel_loop3A_133 = vector.broadcast %parallel_loop3A_132 : i32 to vector<16xi32>
      %parallel_loop3A_134 = arith.addi %parallel_loop3A_75, %parallel_loop3A_133 : vector<16xi32>
      %parallel_loop3A_135 = tpu.vector_load_idx %arg6[%parallel_loop3A_134] : memref<17000xf32, #tpu.memory_space<vmem>>[vector<16xi32>], vector<16xf32>,
      %parallel_loop3A_136 = arith.constant 5 : i32
      %parallel_loop3A_137 = arith.index_cast %parallel_loop3A_136 : i32 to index
      %parallel_loop3A_138 = arith.index_cast %parallel_loop3A_77 : i32 to index
      %parallel_loop3A_139 = arith.index_cast %parallel_loop3A_81 : i32 to index
      %parallel_loop3A_140 = arith.index_cast %parallel_loop3A_66 : i32 to index
      %parallel_loop3A_141 = tpu.vector_load %arg8[%parallel_loop3A_137, %parallel_loop3A_138, %parallel_loop3A_139, %parallel_loop3A_140] {strides = array<i32>} : memref<10x7x8x128xf32, #tpu.memory_space<vmem>>, vector<16xf32>,
      tpu.vector_store %arg8[%parallel_loop3A_137, %parallel_loop3A_138, %parallel_loop3A_139, %parallel_loop3A_140], %parallel_loop3A_135 {strides = array<i32>} : memref<10x7x8x128xf32, #tpu.memory_space<vmem>>, vector<16xf32>,
      %parallel_loop3A_142 = arith.constant 6 : i32
      %parallel_loop3A_143 = vector.broadcast %parallel_loop3A_142 : i32 to vector<16xi32>
      %parallel_loop3A_144 = arith.addi %parallel_loop3A_75, %parallel_loop3A_143 : vector<16xi32>
      %parallel_loop3A_145 = tpu.vector_load_idx %arg6[%parallel_loop3A_144] : memref<17000xf32, #tpu.memory_space<vmem>>[vector<16xi32>], vector<16xf32>,
      %parallel_loop3A_146 = arith.constant 6 : i32
      %parallel_loop3A_147 = arith.index_cast %parallel_loop3A_146 : i32 to index
      %parallel_loop3A_148 = arith.index_cast %parallel_loop3A_77 : i32 to index
      %parallel_loop3A_149 = arith.index_cast %parallel_loop3A_81 : i32 to index
      %parallel_loop3A_150 = arith.index_cast %parallel_loop3A_66 : i32 to index
      %parallel_loop3A_151 = tpu.vector_load %arg8[%parallel_loop3A_147, %parallel_loop3A_148, %parallel_loop3A_149, %parallel_loop3A_150] {strides = array<i32>} : memref<10x7x8x128xf32, #tpu.memory_space<vmem>>, vector<16xf32>,
      tpu.vector_store %arg8[%parallel_loop3A_147, %parallel_loop3A_148, %parallel_loop3A_149, %parallel_loop3A_150], %parallel_loop3A_145 {strides = array<i32>} : memref<10x7x8x128xf32, #tpu.memory_space<vmem>>, vector<16xf32>,
      %parallel_loop3A_152 = arith.constant 7 : i32
      %parallel_loop3A_153 = vector.broadcast %parallel_loop3A_152 : i32 to vector<16xi32>
      %parallel_loop3A_154 = arith.addi %parallel_loop3A_75, %parallel_loop3A_153 : vector<16xi32>
      %parallel_loop3A_155 = tpu.vector_load_idx %arg6[%parallel_loop3A_154] : memref<17000xf32, #tpu.memory_space<vmem>>[vector<16xi32>], vector<16xf32>,
      %parallel_loop3A_156 = arith.constant 7 : i32
      %parallel_loop3A_157 = arith.index_cast %parallel_loop3A_156 : i32 to index
      %parallel_loop3A_158 = arith.index_cast %parallel_loop3A_77 : i32 to index
      %parallel_loop3A_159 = arith.index_cast %parallel_loop3A_81 : i32 to index
      %parallel_loop3A_160 = arith.index_cast %parallel_loop3A_66 : i32 to index
      %parallel_loop3A_161 = tpu.vector_load %arg8[%parallel_loop3A_157, %parallel_loop3A_158, %parallel_loop3A_159, %parallel_loop3A_160] {strides = array<i32>} : memref<10x7x8x128xf32, #tpu.memory_space<vmem>>, vector<16xf32>,
      tpu.vector_store %arg8[%parallel_loop3A_157, %parallel_loop3A_158, %parallel_loop3A_159, %parallel_loop3A_160], %parallel_loop3A_155 {strides = array<i32>} : memref<10x7x8x128xf32, #tpu.memory_space<vmem>>, vector<16xf32>,
      %parallel_loop3A_162 = arith.constant 8 : i32
      %parallel_loop3A_163 = vector.broadcast %parallel_loop3A_162 : i32 to vector<16xi32>
      %parallel_loop3A_164 = arith.addi %parallel_loop3A_75, %parallel_loop3A_163 : vector<16xi32>
      %parallel_loop3A_165 = tpu.vector_load_idx %arg6[%parallel_loop3A_164] : memref<17000xf32, #tpu.memory_space<vmem>>[vector<16xi32>], vector<16xf32>,
      %parallel_loop3A_166 = arith.constant 8 : i32
      %parallel_loop3A_167 = arith.index_cast %parallel_loop3A_166 : i32 to index
      %parallel_loop3A_168 = arith.index_cast %parallel_loop3A_77 : i32 to index
      %parallel_loop3A_169 = arith.index_cast %parallel_loop3A_81 : i32 to index
      %parallel_loop3A_170 = arith.index_cast %parallel_loop3A_66 : i32 to index
      %parallel_loop3A_171 = tpu.vector_load %arg8[%parallel_loop3A_167, %parallel_loop3A_168, %parallel_loop3A_169, %parallel_loop3A_170] {strides = array<i32>} : memref<10x7x8x128xf32, #tpu.memory_space<vmem>>, vector<16xf32>,
      tpu.vector_store %arg8[%parallel_loop3A_167, %parallel_loop3A_168, %parallel_loop3A_169, %parallel_loop3A_170], %parallel_loop3A_165 {strides = array<i32>} : memref<10x7x8x128xf32, #tpu.memory_space<vmem>>, vector<16xf32>,
      %parallel_loop3A_172 = arith.constant 9 : i32
      %parallel_loop3A_173 = vector.broadcast %parallel_loop3A_172 : i32 to vector<16xi32>
      %parallel_loop3A_174 = arith.addi %parallel_loop3A_75, %parallel_loop3A_173 : vector<16xi32>
      %parallel_loop3A_175 = tpu.vector_load_idx %arg6[%parallel_loop3A_174] : memref<17000xf32, #tpu.memory_space<vmem>>[vector<16xi32>], vector<16xf32>,
      %parallel_loop3A_176 = arith.constant 9 : i32
      %parallel_loop3A_177 = arith.index_cast %parallel_loop3A_176 : i32 to index
      %parallel_loop3A_178 = arith.index_cast %parallel_loop3A_77 : i32 to index
      %parallel_loop3A_179 = arith.index_cast %parallel_loop3A_81 : i32 to index
      %parallel_loop3A_180 = arith.index_cast %parallel_loop3A_66 : i32 to index
      %parallel_loop3A_181 = tpu.vector_load %arg8[%parallel_loop3A_177, %parallel_loop3A_178, %parallel_loop3A_179, %parallel_loop3A_180] {strides = array<i32>} : memref<10x7x8x128xf32, #tpu.memory_space<vmem>>, vector<16xf32>,
      tpu.vector_store %arg8[%parallel_loop3A_177, %parallel_loop3A_178, %parallel_loop3A_179, %parallel_loop3A_180], %parallel_loop3A_175 {strides = array<i32>} : memref<10x7x8x128xf32, #tpu.memory_space<vmem>>, vector<16xf32>,
    } {sc.loop_unroll_factor = 2 : i64, sc.parallel_access}
    %dma_wait3A_38 = arith.constant 0 : i32
    %dma_wait3A_39 = arith.constant 0 : i32
    %dma_wait3A_40 = arith.constant 0 : i32
    %dma_wait3A_41 = arith.constant 0 : i32
    %dma_wait3A_42 = tpu.memref_slice %arg8[%dma_wait3A_38, %dma_wait3A_39, %dma_wait3A_40, %dma_wait3A_41] : memref<10x7x8x128xf32, #tpu.memory_space<vmem>> -> memref<10x4x8x128xf32, #tpu.memory_space<vmem>>
    %dma_wait3A_43 = arith.constant 0 : i32
    %dma_wait3A_44 = arith.constant 0 : i32
    %dma_wait3A_45 = arith.constant 0 : i32
    %dma_wait3A_46 = arith.constant 0 : i32
    %dma_wait3A_47 = tpu.memref_slice %arg4[%dma_wait3A_43, %dma_wait3A_44, %add3A, %dma_wait3A_45, %dma_wait3A_46] : memref<10x7x32x8x128xf32, #tpu.memory_space<hbm>> -> memref<10x4x1x8x128xf32, #tpu.memory_space<hbm>>
    %dma_wait3A_48 = tpu.memref_squeeze %dma_wait3A_47 : memref<10x4x1x8x128xf32, #tpu.memory_space<hbm>> -> memref<10x4x8x128xf32, #tpu.memory_space<hbm>>
    %dma_wait3A_49 = arith.constant 0 : i32
    %dma_wait3A_50 = arith.constant 0 : i32
    %dma_wait3A_51 = arith.constant 0 : i32
    %dma_wait3A_52 = arith.constant 0 : i32
    %dma_wait3A_53 = tpu.memref_slice %arg4[%dma_wait3A_49, %dma_wait3A_50, %add3A, %dma_wait3A_51, %dma_wait3A_52] : memref<10x7x32x8x128xf32, #tpu.memory_space<hbm>> -> memref<10x4x1x8x128xf32, #tpu.memory_space<hbm>>
    %dma_wait3A_54 = tpu.memref_squeeze %dma_wait3A_53 : memref<10x4x1x8x128xf32, #tpu.memory_space<hbm>> -> memref<10x4x8x128xf32, #tpu.memory_space<hbm>>
    %dma_wait3A_55 = arith.constant 0 : i32
    %dma_wait3A_56 = arith.constant 0 : i32
    %dma_wait3A_57 = arith.constant 0 : i32
    %dma_wait3A_58 = arith.constant 0 : i32
    %dma_wait3A_59 = tpu.memref_slice %arg8[%dma_wait3A_55, %dma_wait3A_56, %dma_wait3A_57, %dma_wait3A_58] : memref<10x7x8x128xf32, #tpu.memory_space<vmem>> -> memref<10x4x8x128xf32, #tpu.memory_space<vmem>>
    tpu.wait_dma2 semaphore(%arg9 : memref<!tpu.dma_semaphore, #tpu.memory_space<semaphore_mem>>) src(%dma_wait3A_59 : memref<10x4x8x128xf32, #tpu.memory_space<vmem>>) dst(%dma_wait3A_54 : memref<10x4x8x128xf32, #tpu.memory_space<hbm>>)
    "tpu.region"() ({
      %run_scoped3A = tpu.sem_alloc : memref<!tpu.dma_semaphore, #tpu.memory_space<semaphore_mem>>
      %dma_start3A_60 = arith.constant 0 : i32
      %dma_start3A_61 = arith.constant 4 : i32
      %dma_start3A_62 = arith.constant 0 : i32
      %dma_start3A_63 = arith.constant 0 : i32
      %dma_start3A_64 = tpu.memref_slice %arg8[%dma_start3A_60, %dma_start3A_61, %dma_start3A_62, %dma_start3A_63] : memref<10x7x8x128xf32, #tpu.memory_space<vmem>> -> memref<10x3x8x128xf32, #tpu.memory_space<vmem>>
      %dma_start3A_65 = arith.constant 0 : i32
      %dma_start3A_66 = arith.constant 4 : i32
      %dma_start3A_67 = arith.constant 0 : i32
      %dma_start3A_68 = arith.constant 0 : i32
      %dma_start3A_69 = tpu.memref_slice %arg4[%dma_start3A_65, %dma_start3A_66, %add3A, %dma_start3A_67, %dma_start3A_68] : memref<10x7x32x8x128xf32, #tpu.memory_space<hbm>> -> memref<10x3x1x8x128xf32, #tpu.memory_space<hbm>>
      %dma_start3A_70 = tpu.memref_squeeze %dma_start3A_69 : memref<10x3x1x8x128xf32, #tpu.memory_space<hbm>> -> memref<10x3x8x128xf32, #tpu.memory_space<hbm>>
      %dma_start3A_71 = arith.constant 0 : i32
      %dma_start3A_72 = arith.constant 4 : i32
      %dma_start3A_73 = arith.constant 0 : i32
      %dma_start3A_74 = arith.constant 0 : i32
      %dma_start3A_75 = tpu.memref_slice %arg4[%dma_start3A_71, %dma_start3A_72, %add3A, %dma_start3A_73, %dma_start3A_74] : memref<10x7x32x8x128xf32, #tpu.memory_space<hbm>> -> memref<10x3x1x8x128xf32, #tpu.memory_space<hbm>>
      %dma_start3A_76 = tpu.memref_squeeze %dma_start3A_75 : memref<10x3x1x8x128xf32, #tpu.memory_space<hbm>> -> memref<10x3x8x128xf32, #tpu.memory_space<hbm>>
      %dma_start3A_77 = arith.constant 0 : i32
      %dma_start3A_78 = arith.constant 4 : i32
      %dma_start3A_79 = arith.constant 0 : i32
      %dma_start3A_80 = arith.constant 0 : i32
      %dma_start3A_81 = tpu.memref_slice %arg8[%dma_start3A_77, %dma_start3A_78, %dma_start3A_79, %dma_start3A_80] : memref<10x7x8x128xf32, #tpu.memory_space<vmem>> -> memref<10x3x8x128xf32, #tpu.memory_space<vmem>>
      tpu.enqueue_dma source(%dma_start3A_81 : memref<10x3x8x128xf32, #tpu.memory_space<vmem>>) target(%dma_start3A_76 : memref<10x3x8x128xf32, #tpu.memory_space<hbm>>) target_semaphore(%run_scoped3A : memref<!tpu.dma_semaphore, #tpu.memory_space<semaphore_mem>>)
      %dma_wait3A_82 = arith.constant 0 : i32
      %dma_wait3A_83 = arith.constant 4 : i32
      %dma_wait3A_84 = arith.constant 0 : i32
      %dma_wait3A_85 = arith.constant 0 : i32
      %dma_wait3A_86 = tpu.memref_slice %arg8[%dma_wait3A_82, %dma_wait3A_83, %dma_wait3A_84, %dma_wait3A_85] : memref<10x7x8x128xf32, #tpu.memory_space<vmem>> -> memref<10x3x8x128xf32, #tpu.memory_space<vmem>>
      %dma_wait3A_87 = arith.constant 0 : i32
      %dma_wait3A_88 = arith.constant 4 : i32
      %dma_wait3A_89 = arith.constant 0 : i32
      %dma_wait3A_90 = arith.constant 0 : i32
      %dma_wait3A_91 = tpu.memref_slice %arg4[%dma_wait3A_87, %dma_wait3A_88, %add3A, %dma_wait3A_89, %dma_wait3A_90] : memref<10x7x32x8x128xf32, #tpu.memory_space<hbm>> -> memref<10x3x1x8x128xf32, #tpu.memory_space<hbm>>
      %dma_wait3A_92 = tpu.memref_squeeze %dma_wait3A_91 : memref<10x3x1x8x128xf32, #tpu.memory_space<hbm>> -> memref<10x3x8x128xf32, #tpu.memory_space<hbm>>
      %dma_wait3A_93 = arith.constant 0 : i32
      %dma_wait3A_94 = arith.constant 4 : i32
      %dma_wait3A_95 = arith.constant 0 : i32
      %dma_wait3A_96 = arith.constant 0 : i32
      %dma_wait3A_97 = tpu.memref_slice %arg4[%dma_wait3A_93, %dma_wait3A_94, %add3A, %dma_wait3A_95, %dma_wait3A_96] : memref<10x7x32x8x128xf32, #tpu.memory_space<hbm>> -> memref<10x3x1x8x128xf32, #tpu.memory_space<hbm>>
      %dma_wait3A_98 = tpu.memref_squeeze %dma_wait3A_97 : memref<10x3x1x8x128xf32, #tpu.memory_space<hbm>> -> memref<10x3x8x128xf32, #tpu.memory_space<hbm>>
      %dma_wait3A_99 = arith.constant 0 : i32
      %dma_wait3A_100 = arith.constant 4 : i32
      %dma_wait3A_101 = arith.constant 0 : i32
      %dma_wait3A_102 = arith.constant 0 : i32
      %dma_wait3A_103 = tpu.memref_slice %arg8[%dma_wait3A_99, %dma_wait3A_100, %dma_wait3A_101, %dma_wait3A_102] : memref<10x7x8x128xf32, #tpu.memory_space<vmem>> -> memref<10x3x8x128xf32, #tpu.memory_space<vmem>>
      tpu.wait_dma2 semaphore(%run_scoped3A : memref<!tpu.dma_semaphore, #tpu.memory_space<semaphore_mem>>) src(%dma_wait3A_103 : memref<10x3x8x128xf32, #tpu.memory_space<vmem>>) dst(%dma_wait3A_98 : memref<10x3x8x128xf32, #tpu.memory_space<hbm>>)
      tpu.yield
    }) : () -> ()
    return
  }
}

module attributes {stable_mosaic.version = 14 : i64} {
  func.func @_proj_body(%arg0: memref<1000x128xf32, #tpu.memory_space<vmem>>, %arg1: memref<128x10xf32, #tpu.memory_space<vmem>>, %arg2: memref<1x10xf32, #tpu.memory_space<vmem>>, %arg3: memref<1000x16xf32, #tpu.memory_space<vmem>>) attributes {dimension_semantics = [], scalar_prefetch = 0 : i64, scratch_operands = 0 : i64, tpu.core_type = #tpu.core_type<tc>} {
    %get3A = arith.constant 0 : index
    %get3A_0 = arith.constant 0 : index
    %get3A_1 = vector.load %arg1[%get3A, %get3A_0] : memref<128x10xf32, #tpu.memory_space<vmem>>, vector<128x10xf32>
    %jit3A = arith.constant 0 : i32
    %convert_element_type3A = arith.sitofp %jit3A : i32 to f32
    %pad3A = vector.broadcast %convert_element_type3A : f32 to vector<128x6xf32>
    %pad3A_2 = tpu.concatenate %get3A_1, %pad3A in 1 : vector<128x10xf32>, vector<128x6xf32> -> vector<128x16xf32>
    %get3A_3 = arith.constant 0 : index
    %get3A_4 = arith.constant 0 : index
    %get3A_5 = vector.load %arg2[%get3A_3, %get3A_4] : memref<1x10xf32, #tpu.memory_space<vmem>>, vector<1x10xf32>
    %jit3A_6 = arith.constant 0 : i32
    %convert_element_type3A_7 = arith.sitofp %jit3A_6 : i32 to f32
    %pad3A_8 = vector.broadcast %convert_element_type3A_7 : f32 to vector<1x6xf32>
    %pad3A_9 = tpu.concatenate %get3A_5, %pad3A_8 in 1 : vector<1x10xf32>, vector<1x6xf32> -> vector<1x16xf32>
    %get3A_10 = arith.constant 0 : index
    %get3A_11 = arith.constant 0 : index
    %get3A_12 = vector.load %arg0[%get3A_10, %get3A_11] : memref<1000x128xf32, #tpu.memory_space<vmem>>, vector<1000x128xf32>
    %dot_general3A = arith.constant dense<0.000000e+00> : vector<1000x16xf32>
    %dot_general3A_13 = tpu.matmul %get3A_12, %pad3A_2, %dot_general3A {dimension_numbers = #tpu.dot_dimension_numbers<[1], [0], [0], [1], [0, 0, 1, 1], [], []>, transpose_lhs_hint = false} : vector<1000x128xf32>, vector<128x16xf32>, vector<1000x16xf32> -> vector<1000x16xf32>
    %add3A = vector.broadcast %pad3A_9 : vector<1x16xf32> to vector<1000x16xf32>
    %add3A_14 = arith.addf %dot_general3A_13, %add3A : vector<1000x16xf32>
    %swap3A = arith.constant 0 : index
    %swap3A_15 = arith.constant 0 : index
    %swap3A_16 = vector.load %arg3[%swap3A, %swap3A_15] : memref<1000x16xf32, #tpu.memory_space<vmem>>, vector<1000x16xf32>
    tpu.vector_store %arg3[%swap3A, %swap3A_15], %add3A_14 {strides = array<i32>} : memref<1000x16xf32, #tpu.memory_space<vmem>>, vector<1000x16xf32>,
    return
  }
}

</mosaic_0001>

<sc_bundles>
// kernel: kernel.4.cloned.1.call-start
scs
__scs_entry_jumppad:
0x0: {  	(pc) =	sbr.rel $0x88, $3  }
0x1: {  	(tag) =	ssettag $0x0;
	lr =	simm.s32 $0x1  }
0x2: {  	[smem:$0x3F9D] =	sst lr;
	_ =	strace $0xD0000000  }
0x3: {  	_ = 	snop  }
0x4: {  	_ = 	snop  }
0x5: {  	_ = 	snop  }
0x6: {  	_ = 	snop  }
0x7: {  	_ = 	snop  }
__scs_overlays_trampoline_lowered:
0x8: {  	[smem:$0x3FAC] =	sst s0  }
0x9: {  	[smem:$0x3FAD] =	sst s1  }
0xa: {  	[smem:$0x3FAE] =	sst s2  }
0xb: {  	[smem:$0x3FAF] =	sst s3  }
0xc: {  	[smem:$0x3FB0] =	sst s4  }
0xd: {  	[smem:$0x3FB1] =	sst s5  }
0xe: {  	[smem:$0x3FB2] =	sst s6  }
0xf: {  	[smem:$0x3FB3] =	sst s7  }
0x10: {  	[smem:$0x3FB4] =	sst s8  }
0x11: {  	[smem:$0x3FB5] =	sst s9;
	s0 =	simm.s32 @!p0 $0x0  }
0x12: {  	s1 =	sld [smem:$0x3F9B];
	s0 =	simm.s32 @p0 $0x1  }
0x13: {  	[smem:$0x3FB6] =	sst s0;
	s0 =	simm.s32 @!p1 $0x0  }
0x14: {  	s2 =	sld [smem:$0x3F9A];
	s0 =	simm.s32 @p1 $0x1  }
0x15: {  	[smem:$0x3FB7] =	sst s0;
	s0 =	simm.s32 @!p2 $0x0  }
0x16: {  	s3 =	sld [smem:$0x3FDB];
	s0 =	simm.s32 @p2 $0x1  }
0x17: {  	s4 =	simm.s32 $0x1BF5;
	[smem:$0x3FB9] =	sst s0  }
0x18: {  	s0 =	sld [smem:$0x3F9C];
	_ =	swait.ge [sflag:s4], $0x0  }
0x19: {  	s7 =	sld [smem:$0x3F9D]  }
0x1a: {  	s8 =	sadd.s32 $0xFFFFE003, lr  }
0x1b: {  	s9 =	sadd.s32 $0xFFFFFEF7, lr;
	s5 =	simm.s32 $0xFFFFFFFF;
	p2 =	slt.u32 s8, $0xFFFFF086  }
0x1c: {  	p1 =	slt.u32 s9, $0xF7A;
	s5 =	simm.s32 @!p2 $0x0  }
0x1d: {  	s5 =	simm.s32 @p1 $0x1;
	p0 =	seq.s32 s7, s2  }
0x1e: {  	s7 =	smul.u32 @!p0 $0xF7A, s2;
	p2 =	seq.s32 @!p0 s5, $0x0  }
0x1f: {  	s9 =	smul.u32 $0xF7A, s1;
	s8 =	simm.s32 @!p0 $0x1BF5;
	p2 =	por !p2, p0  }
0x20: {  	[sflag:s8] =	ssyncset.s32 @!p0 $0xFFFFF086;
	s6 =	sadd.s32 @!p0 s3, s7;
	s7 =	simm.s32 @!p0 $0x108  }
0x21: {  	s3 =	sadd.s32 s3, s9;
	s6 =	sadd.s32 @!p0 $0x88, s6;
	s7 =	simm.s32 @p2 $0x1082  }
0x22: {  	[simem:s7], [sflag:s8] =	dma.local @!p0 [hbm:s6], $0xF7A  }
0x23: {  	s9 =	sor.u32 $0xD0000000, s2;
	s6 =	simm.s32 $0x108;
	_ =	swait.ge @!p0 [sflag:s8], $0x0  }
0x24: {  	s3 =	sadd.s32 $0x88, s3;
	s6 =	simm.s32 @!p1 $0x1082;
	[sflag:s4] =	ssyncset.s32 $0xFFFFF086  }
0x25: {  	[simem:s6], [sflag:s4] =	dma.local [hbm:s3], $0xF7A  }
0x26: {  	[smem:$0x3F9D] =	sst s1;
	(tag) =	ssettag s2;
	_ =	strace s9  }
0x27: {  	s1 =	sld [smem:$0x3FAD]  }
0x28: {  	s2 =	sld [smem:$0x3FAE]  }
0x29: {  	s4 =	sld [smem:$0x3FB0]  }
0x2a: {  	p0 =	seq.s32 s5, $0x0;
	s5 =	sld [smem:$0x3FB1]  }
0x2b: {  	s6 =	sld [smem:$0x3FB2]  }
0x2c: {  	s7 =	sld [smem:$0x3FB3]  }
0x2d: {  	s3 =	simm.s32 $0x108;
	s8 =	sld [smem:$0x3FB4]  }
0x2e: {  	s3 =	simm.s32 @!p0 $0x1082;
	s9 =	sld [smem:$0x3FB5]  }
0x2f: {  	lr =	sadd.s32 s0, s3;
	s0 =	sld [smem:$0x3FAC]  }
0x30: {  	s3 =	sld [smem:$0x3FAF]  }
0x31: {  	[smem:$0x3FB8] =	sst s10  }
0x32: {  	s10 =	sld [smem:$0x3FB6];
	_ =	sdelay $0x3  }
0x33: {  	p0 =	seq.s32 s10, $0x1;
	s10 =	sld [smem:$0x3FB8];
	_ =	sdelay $0x3  }
0x34: {  	[smem:$0x3FB8] =	sst s10  }
0x35: {  	s10 =	sld [smem:$0x3FB7];
	_ =	sdelay $0x3  }
0x36: {  	p1 =	seq.s32 s10, $0x1;
	s10 =	sld [smem:$0x3FB8];
	_ =	sdelay $0x3  }
0x37: {  	[smem:$0x3FB8] =	sst s10  }
0x38: {  	s10 =	sld [smem:$0x3FB9]  }
0x39: {  	_ = 	snop;
	(pc) =	sbr.ind lr, $3  }
0x3a: {  	_ = 	snop  }
0x3b: {  	_ = 	snop  }
0x3c: {  	p2 =	seq.s32 s10, $0x1;
	s10 =	sld [smem:$0x3FB8]  }
0x3d: {  	_ =	shalt  }
0x3e: {  	_ =	shalt  }
0x3f: {  	_ =	shalt  }
0x40: {  	_ =	shalt  }
0x41: {  	_ =	shalt  }
0x42: {  	_ =	shalt  }
0x43: {  	_ =	shalt  }
0x44: {  	_ =	shalt  }
0x45: {  	_ =	shalt  }
0x46: {  	_ =	shalt  }
0x47: {  	_ =	shalt  }
0x48: {  	_ =	shalt  }
0x49: {  	_ =	shalt  }
0x4a: {  	_ =	shalt  }
0x4b: {  	_ =	shalt  }
0x4c: {  	_ =	shalt  }
0x4d: {  	_ =	shalt  }
0x4e: {  	_ =	shalt  }
0x4f: {  	_ =	shalt  }
0x50: {  	_ =	shalt  }
0x51: {  	_ =	shalt  }
0x52: {  	_ =	shalt  }
0x53: {  	_ =	shalt  }
0x54: {  	_ =	shalt  }
0x55: {  	_ =	shalt  }
0x56: {  	_ =	shalt  }
0x57: {  	_ =	shalt  }
0x58: {  	_ =	shalt  }
0x59: {  	_ =	shalt  }
0x5a: {  	_ =	shalt  }
0x5b: {  	_ =	shalt  }
0x5c: {  	_ =	shalt  }
0x5d: {  	_ =	shalt  }
0x5e: {  	_ =	shalt  }
0x5f: {  	_ =	shalt  }
0x60: {  	_ =	shalt  }
0x61: {  	_ =	shalt  }
0x62: {  	_ =	shalt  }
0x63: {  	_ =	shalt  }
0x64: {  	_ =	shalt  }
0x65: {  	_ =	shalt  }
0x66: {  	_ =	shalt  }
0x67: {  	_ =	shalt  }
0x68: {  	_ =	shalt  }
0x69: {  	_ =	shalt  }
0x6a: {  	_ =	shalt  }
0x6b: {  	_ =	shalt  }
0x6c: {  	_ =	shalt  }
0x6d: {  	_ =	shalt  }
0x6e: {  	_ =	shalt  }
0x6f: {  	_ =	shalt  }
0x70: {  	_ =	shalt  }
0x71: {  	_ =	shalt  }
0x72: {  	_ =	shalt  }
0x73: {  	_ =	shalt  }
0x74: {  	_ =	shalt  }
0x75: {  	_ =	shalt  }
0x76: {  	_ =	shalt  }
0x77: {  	_ =	shalt  }
0x78: {  	_ =	shalt  }
0x79: {  	_ =	shalt  }
0x7a: {  	_ =	shalt  }
0x7b: {  	_ =	shalt  }
0x7c: {  	_ =	shalt  }
0x7d: {  	_ =	shalt  }
0x7e: {  	_ =	shalt  }
0x7f: {  	_ =	shalt  }
0x80: {  	_ =	shalt  }
0x81: {  	_ =	shalt  }
0x82: {  	_ =	shalt  }
0x83: {  	_ =	shalt  }
0x84: {  	_ =	shalt  }
0x85: {  	_ =	shalt  }
0x86: {  	_ =	shalt  }
0x87: {  	_ =	shalt  }
.Lfunc_end0:
.L_simem_size_0:
called_computation_lowered:
.L_overlay_start_0:
0x88: {  	s2 =	sld [smem:$0x3FD9]  }
0x89: {  	s3 =	sld [smem:$0x3FFE];
	_ =	sdelay $0x1  }
0x8a: {  	s1 =	srdreg.scid  }
0x8b: {  	s0 =	sand.u32 $0x1, s1  }
0x8c: {  	s17 =	sshll.u32 s0, $0xA;
	s2 =	sadd.s32 s3, s2  }
0x8d: {  	s2 =	sadd.s32 s2, s17  }
0x8e: {  	[smem:$0x3FC4] =	sst s2  }
0x8f: {  	_ = 	snop  }
0x90: {  	s2 =	sld [smem:$0x3FD0];
	(tm) =	ssettm $0x1  }
0x91: {  	s18 =	sld [smem:$0x3FFB];
	_ =	sdelay $0x3  }
0x92: {  	_ =	strace s18  }
0x93: {  	s3 =	sld [smem:$0x3FFC];
	_ =	sdelay $0x3  }
0x94: {  	_ =	strace s3  }
0x95: {  	s3 =	sld [smem:$0x3FFD];
	_ =	sdelay $0x3  }
0x96: {  	_ =	strace s3  }
0x97: {  	_ =	strace $0x8FFFFFFF  }
0x98: {  	s19 =	sld [smem:$0x3FDB];
	_ =	sdelay $0x1  }
0x99: {  	s4 =	simm.s32 $_scs_section_size  }
0x9a: {  	s5 =	simm.s32 $_size__tile_overlayer_lowered;
	s6 =	simm.s32 $_tile_overlayer_lowered  }
0x9b: {  	s22 =	simm.s32 $0x1BFF;
	s21 =	sshll.u32 s6, $0x1;
	s3 =	sadd.s32 s4, s19  }
0x9c: {  	s7 =	simm.s32 $0x0;
	s20 =	sshll.u32 s5, $0x1;
	s5 =	sadd.s32 s21, s3  }
0x9d: {  	[timem:s7], [sflag:s22] =	dma.local [hbm:s5], s20  }
0x9e: {  	_ =	swait.ge [sflag:s22], s20  }
0x9f: {  	s4 =	ssub.s32 $0x0, s20;
	[sflag:s22] =	ssyncset.done $0x0  }
0xa0: {  	[sflag:s22] =	ssyncadd.s32 s4;
	_ =	sdelay $0x1  }
0xa1: {  	s23 =	simm.s32 $0x1B8B  }
0xa2: {  	_ =	swait.ge [sflag:s23], $0x1  }
0xa3: {  	[sflag:s23] =	ssyncset.done $0x0  }
0xa4: {  	s25 =	simm.s32 $0x1B8E;
	s24 =	sld [smem:$0x3FFE];
	[sflag:s23] =	ssyncadd.s32 $0xFFFFFFFF  }
0xa5: {  	s26 =	simm.s32 $execute0_lowered;
	[smem:$0x3FD2] =	sst s25  }
0xa6: {  	s5 =	sshll.u32 s26, $0x1;
	_ =	strace $0x80000046;
	[dreg:$0x1] =	wrdreg $0xFFFFFFFF  }
0xa7: {  	s28 =	simm.s32 $_size_execute0_lowered;
	s3 =	sadd.s32 s3, s5;
	[dreg:$0x0] =	wrdreg $0x0  }
0xa8: {  	s5 =	sshll.u32 s28, $0x1;
	[dreg:$0x2] =	wrdreg s3  }
0xa9: {  	[dreg:$0x3] =	wrdreg s5  }
0xaa: {  	[dreg:$0x4] =	wrdreg $0xC0  }
0xab: {  	_ =	task [dreg:s7], $0x5FFFF  }
0xac: {  	[dreg:$0x1] =	wrdreg $0xFFFFFFFF  }
0xad: {  	[dreg:$0x0] =	wrdreg $0x60  }
0xae: {  	[dreg:$0x2] =	wrdreg s24  }
0xaf: {  	[dreg:$0x3] =	wrdreg s2  }
0xb0: {  	[dreg:$0x4] =	wrdreg $0x9  }
0xb1: {  	_ =	task.clear_ibuf [dreg:s7], $0x5FFFF;
	_ =	strace $0x90000046  }
0xb2: {  	s29 =	simm.s32 $0x9;
	_ =	strace $0x80000048  }
0xb3: {  	_ =	swait.ge [sflag:s29], $0x1  }
0xb4: {  	[sflag:s29] =	ssyncadd.s32 $0xFFFFFFFF  }
0xb5: {  	_ =	strace $0x90000048  }
0xb6: {  	_ =	sfence  }
0xb7: {  	s30 =	sld [smem:$0x0];
	_ =	sdelay $0x2  }
0xb8: {  	s31 =	sshll.u32 s1, $0xD;
	s1 =	sshrl.u32 s1, $0x2  }
0xb9: {  	s3 =	sand.u32 $0x4000, s31;
	s1 =	sadd.s32 s1, s30  }
0xba: {  	s0 =	sor.u32 s3, s0;
	s1 =	sshll.u32 s1, $0x11  }
0xbb: {  	s0 =	sor.u32 s1, s0  }
0xbc: {  	s0 =	sadd.s32 $0x8F2B, s0  }
0xbd: {  	[sflag:s0] =	ssyncadd.remote.s32 $0x1  }
0xbe: {  	_ =	sfence.sel $0xFFFF  }
0xbf: {  	[dreg:$0x0] =	wrdreg $0xFFFFFFFF;
	(pc) =	sbr.abs _section_cstart, $3  }
0xc0: {  	[dreg:$0x1] =	wrdreg $0xFFFFFFFF  }
0xc1: {  	_ =	task.clear_ibuf [dreg:s7], $0x2FFFF;
	_ =	strace $0x9FFFFFFF  }
0xc2: {  	(tm) =	ssettm $0x7FFFFFFF  }
0xc3: {  	_ =	shalt  }
tec
execute0_lowered:
.L_overlay_start_1:
0x0: {  	(tag) =	ssettag $0x1  }
0x1: {  	s0 =	rddreg [dreg:$0x0]  }
0x2: {  	s1 =	rddreg [dreg:$0x1];
	s2 =	srdreg.scid  }
0x3: {  	s3 =	stileid.u32;
	s4 =	simm.s32 $0x0;
	s8 =	simm.s32 $0x80E8  }
0x4: {  	s10 =	simm.s32 $0x3E80;
	s12 =	simm.s32 $0x400;
	s13 =	simm.s32 $0x8000  }
0x5: {  	s2 =	sand.u32 $0x1, s2;
	s3 =	sshll.u32 s3, $0x1;
	[smem:$0x7FF] =	sst s4  }
0x6: {  	s5 =	sadd.s32 $0x800, s0;
	s3 =	sor.u32 s2, s3;
	_ =	strace $0x80000047  }
0x7: {  	s2 =	ssub.s32 $0x2, s2;
	s28 =	smul.u32 $0x320, s3;
	s3 =	sshll.u32 s3, $0x7  }
0x8: {  	[dreg:$0x3] =	wrdreg s5;
	s29 =	sshrl.u32 s2, $0x1;
	s1 =	sadd.s32 s1, s3  }
0x9: {  	s2 =	ssub.s32 s2, s29;
	[dreg:$0x4] =	wrdreg s1;
	s30 =	sadd.s32 $0x4000, s1  }
0xa: {  	s0 =	sadd.s32 s28, s0;
	s31 =	smax.u32 s2, $0x1;
	[dreg:$0x6] =	wrdreg s30  }
0xb: {  	v0 =	vlaneseq.u32;
	s4 =	simm.s32 $0x1;
	s0 =	sadd.s32 $0x1000, s0;
	[dreg:$0x7] =	wrdreg s31  }
0xc: {  	v1 =	vand.u32 $0x7, v0;
	v2 =	vmul.u32 $0x32, v0;
	s1 =	simm.s32 $0x2;
	s2 =	simm.s32 $0x0;
	[dreg:$0x5] =	wrdreg s0  }
.LBB2_1:
0xd: {  	[dreg:$0x8] =	wrdreg s2  }
0xe: {  	s23 =	simm.s32 $0x0;
	s0 =	rddreg [dreg:$0x5]  }
0xf: {  	[tilespmem:s8], [sflag:$0x1] =	stream.linear.gather [hbm4b:s0+s23], $0x1900, $0x38;
	[tilespmem:$0x1B1E8] =	vst v63  }
0x10: {  	s24 =	rddreg [dreg:$0x3]  }
0x11: {  	[tilespmem:s23], [sflag:$0x2] =	stream.linear.gather [hbm4b:s24+s23], $0x3E80, $0x38;
	[tilespmem:$0x1B1E8] =	vst v63  }
0x12: {  	_ =	swait.ge [sflag:s1], $0x3E80  }
0x13: {  	[sflag:s1] =	ssyncset.done $0x0  }
0x14: {  	s25 =	simm.s32 $0x40;
	[sflag:s1] =	ssyncadd.s32 $0xFFFFC180  }
0x15: {  	s26 =	simm.s32 $0x44;
	v4 =	vld [tilespmem:s25+$0x0]  }
0x16: {  	s28 =	simm.s32 $0x77;
	v11 =	vadd.s32 s26, v0;
	v3 =	vld [tilespmem:s25+$0xFFFFFFE0]  }
0x17: {  	v16 =	vadd.s32 s28, v0;
	v15 =	vld [tilespmem:s25+$0x30]  }
0x18: {  	s29 =	simm.s32 $0x33;
	v8 =	vld [tilespmem:s25+$0xFFFFFFF0]  }
0x19: {  	s30 =	simm.s32 $0x55;
	v9 =	vadd.s32 s29, v0;
	v6 =	vld [tilespmem:s25+$0x10]  }
0x1a: {  	s3 =	simm.s32 $0x66;
	v5 =	vadd.s32 s23, v0;
	v13 =	vadd.s32 s30, v0;
	v7 =	vld [tilespmem:s25+$0x20]  }
0x1b: {  	s5 =	simm.s32 $0x22;
	s31 =	simm.s32 $0x11;
	v12 =	vand.u32 $0xFFF8, v5;
	v5 =	vadd.s32 s3, v0;
	v10 =	vld [tilespmem:s25+$0xFFFFFFD0];
	[tilespmem:v11+s10+$0x0] =	vst.idx.msk $0xffff, v4  }
0x1c: {  	s2 =	simm.s32 $0xC0;
	s0 =	simm.s32 $0x0;
	v14 =	vadd.s32 s31, v0;
	s1 =	simm.s32 $0x88;
	v4 =	vor.u32 v1, v12;
	v12 =	vadd.s32 s5, v0;
	v11 =	vld [tilespmem:s25+$0xFFFFFFC0];
	[tilespmem:v16+s10+$0x0] =	vst.idx.msk $0xffff, v15  }
.LBB2_2:
0x1d: {  	s3 =	sadd.s32 $0x44, s1  }
0x1e: {  	v15 =	vadd.s32 s1, v0;
	v16 =	vld [tilespmem:s2+$0x0];
	s5 =	sadd.s32 $0x55, s1;
	s7 =	sadd.s32 $0x66, s1;
	[tilespmem:v9+s10+$0x0] =	vst.idx.msk $0xffff, v8;
	s9 =	sadd.s32 $0x22, s1  }
0x1f: {  	s14 =	sadd.s32 $0x33, s1;
	s0 =	sadd.s32 $0x8, s0;
	v8 =	vand.u32 $0xFFF8, v15;
	v15 =	vld [tilespmem:s2+$0xFFFFFFE0];
	v17 =	vadd.s32 s3, v0;
	s3 =	sadd.s32 $0x77, s1;
	[tilespmem:v13+s10+$0x0] =	vst.idx.msk $0xffff, v6  }
0x20: {  	v9 =	vadd.s32 s14, v0;
	p0 =	slt.u32 s0, $0x3E0;
	v18 =	vor.u32 v1, v8;
	v19 =	vld [tilespmem:s2+$0x30];
	v20 =	vadd.s32 s3, v0;
	[tilespmem:v5+s10+$0x0] =	vst.idx.msk $0xffff, v7  }
.Ltmp0:
0x21: {  	v5 =	vadd.s32 s7, v0;
	v8 =	vld [tilespmem:s2+$0xFFFFFFF0];
	[tilespmem:v14+s10+$0x0] =	vst.idx.msk $0xffff, v10;
	(pc) =	sbr.rel @p0 .LBB2_2-.Ltmp0, $4  }
0x22: {  	v13 =	vadd.s32 s5, v0;
	v6 =	vld [tilespmem:s2+$0x10];
	[tilespmem:v12+s10+$0x0] =	vst.idx.msk $0xffff, v3  }
0x23: {  	s3 =	sadd.s32 $0x11, s1;
	v7 =	vld [tilespmem:s2+$0x20];
	[tilespmem:v4+s10+$0x0] =	vst.idx.msk $0xffff, v11;
	v4 =	vmov v18  }
0x24: {  	v14 =	vadd.s32 s3, v0;
	v12 =	vadd.s32 s9, v0;
	v10 =	vld [tilespmem:s2+$0xFFFFFFD0];
	[tilespmem:v17+s10+$0x0] =	vst.idx.msk $0xffff, v16;
	v3 =	vmov v15  }
0x25: {  	s1 =	sadd.s32 $0x88, s1;
	v11 =	vld [tilespmem:s2+$0xFFFFFFC0];
	[tilespmem:v20+s10+$0x0] =	vst.idx.msk $0xffff, v19;
	s2 =	sadd.s32 $0x80, s2  }
0x26: {  	_ =	sdelay $0x1  }
0x27: {  	s0 =	simm.s32 $0x0  }
0x28: {  	s1 =	sand.u32 $0x6, s0  }
0x29: {  	[tilespmem:v9+s10+$0x0] =	vst.idx.msk $0xffff, v8;
	s2 =	sor.u32 $0x1, s1  }
0x2a: {  	[tilespmem:v12+s10+$0x0] =	vst.idx.msk $0xffff, v3;
	s17 =	smul.u32 $0x320, s2  }
0x2b: {  	[tilespmem:v13+s10+$0x0] =	vst.idx.msk $0xffff, v6  }
0x2c: {  	[tilespmem:v5+s10+$0x0] =	vst.idx.msk $0xffff, v7;
	s0 =	sadd.s32 $0x0, s17  }
0x2d: {  	[tilespmem:v14+s10+$0x0] =	vst.idx.msk $0xffff, v10;
	v3 =	vadd.s32 s0, v2  }
0x2e: {  	[tilespmem:v4+s10+$0x0] =	vst.idx.msk $0xffff, v11  }
0x2f: {  	_ =	swait.ge [sflag:s4], $0x1900  }
0x30: {  	[sflag:s4] =	ssyncset.done $0x0  }
0x31: {  	[sflag:s4] =	ssyncadd.s32 $0xFFFFE700  }
0x32: {  	v3 =	vld.idx.msk [tilespmem:v3+s8+$0x0], $0xffff;
	_ =	sdelay $0x1  }
0x33: {  	s18 =	smul.u32 $0x320, s1;
	_ =	sdelay $0x1  }
0x34: {  	s0 =	sadd.s32 $0x0, s18  }
0x35: {  	v5 =	vadd.s32 s0, v2;
	v4 =	vmul.u32 $0x11, v3;
	_ =	sdelay $0x2  }
0x36: {  	s19 =	simm.s32 $0x2  }
0x37: {  	s0 =	sand.u32 $0x6, s19  }
0x38: {  	s3 =	sor.u32 $0x1, s0;
	v3 =	vld.idx.msk [tilespmem:v5+s8+$0x0], $0xffff  }
0x39: {  	s5 =	simm.s32 $0x0;
	s7 =	simm.s32 $0x0;
	s9 =	smul.u32 $0x320, s3;
	v6 =	vld.idx.msk [tilespmem:v4+s10+$0x0], $0xffff  }
0x3a: {  	s5 =	sand.u32 $0xC00, s5;
	s7 =	sand.u32 $0x380, s7;
	v7 =	vadd.s32 $0x1, v4  }
0x3b: {  	s25 =	sor.u32 s7, s5;
	s20 =	sadd.s32 $0x0, s9  }
0x3c: {  	s24 =	sshll.u32 s2, $0x4;
	s21 =	sadd.s32 $0x99E8, s25;
	v8 =	vadd.s32 s20, v2  }
0x3d: {  	s22 =	sadd.s32 s24, s21  }
0x3e: {  	v5 =	vmul.u32 $0x11, v3;
	[tilespmem:s22+$0x0] =	vst v6  }
0x3f: {  	v3 =	vld.idx.msk [tilespmem:v7+s10+$0x0], $0xffff  }
0x40: {  	s23 =	smul.u32 $0x320, s0;
	v6 =	vadd.s32 $0x2, v4  }
0x41: {  	v7 =	vld.idx.msk [tilespmem:v8+s8+$0x0], $0xffff  }
0x42: {  	s7 =	sadd.s32 $0xB5E8, s25;
	s5 =	sadd.s32 $0x0, s23  }
0x43: {  	s26 =	sadd.s32 s24, s7;
	v8 =	vadd.s32 s5, v2  }
0x44: {  	v9 =	vld.idx.msk [tilespmem:v5+s10+$0x0], $0xffff;
	[tilespmem:s26+$0x0] =	vst v3  }
0x45: {  	v3 =	vadd.s32 $0x1, v5;
	v10 =	vld.idx.msk [tilespmem:v6+s10+$0x0], $0xffff  }
0x46: {  	v6 =	vmul.u32 $0x11, v7;
	v7 =	vadd.s32 $0x3, v4  }
0x47: {  	s29 =	sshll.u32 s1, $0x4  }
0x48: {  	s1 =	sadd.s32 s29, s21;
	s4 =	sadd.s32 $0xD1E8, s25;
	v8 =	vld.idx.msk [tilespmem:v8+s8+$0x0], $0xffff  }
0x49: {  	s6 =	sadd.s32 s24, s4;
	s9 =	simm.s32 $0x4;
	[tilespmem:s1+$0x0] =	vst v9  }
0x4a: {  	s1 =	sand.u32 $0x6, s9;
	v3 =	vld.idx.msk [tilespmem:v3+s10+$0x0], $0xffff;
	[tilespmem:s6+$0x0] =	vst v10  }
0x4b: {  	v9 =	vadd.s32 $0x2, v5;
	s5 =	sor.u32 $0x1, s1;
	v10 =	vld.idx.msk [tilespmem:v7+s10+$0x0], $0xffff  }
0x4c: {  	s11 =	simm.s32 $0x20;
	s14 =	simm.s32 $0x20;
	v12 =	vadd.s32 $0x4, v4;
	s16 =	smul.u32 $0x320, s5;
	v11 =	vld.idx.msk [tilespmem:v6+s10+$0x0], $0xffff  }
0x4d: {  	s14 =	sand.u32 $0x380, s14;
	s15 =	sadd.s32 $0xEDE8, s25;
	s9 =	sand.u32 $0xC00, s11;
	v13 =	vadd.s32 $0x1, v6;
	v7 =	vmul.u32 $0x11, v8  }
0x4e: {  	s7 =	sadd.s32 s29, s7;
	s23 =	sor.u32 s14, s9;
	s16 =	sadd.s32 $0x0, s16  }
0x4f: {  	s18 =	sadd.s32 s24, s15;
	s21 =	sshll.u32 s3, $0x4;
	s17 =	sadd.s32 $0x99E8, s23;
	[tilespmem:s7+$0x0] =	vst v3;
	v3 =	vadd.s32 s16, v2  }
0x50: {  	s19 =	sadd.s32 s21, s17;
	v8 =	vld.idx.msk [tilespmem:v9+s10+$0x0], $0xffff;
	[tilespmem:s18+$0x0] =	vst v10  }
0x51: {  	v9 =	vadd.s32 $0x3, v5;
	[tilespmem:s19+$0x0] =	vst v11;
	v10 =	vld.idx.msk [tilespmem:v12+s10+$0x0], $0xffff  }
0x52: {  	v11 =	vld.idx.msk [tilespmem:v13+s10+$0x0], $0xffff;
	v12 =	vadd.s32 $0x5, v4  }
0x53: {  	s20 =	smul.u32 $0x320, s1;
	v13 =	vadd.s32 $0x2, v6;
	v14 =	vld.idx.msk [tilespmem:v7+s10+$0x0], $0xffff  }
0x54: {  	s2 =	sadd.s32 s29, s4;
	s22 =	sadd.s32 $0x109E8, s25;
	v3 =	vld.idx.msk [tilespmem:v3+s8+$0x0], $0xffff  }
0x55: {  	s4 =	sadd.s32 s24, s22;
	s26 =	sadd.s32 $0xB5E8, s23;
	v15 =	vadd.s32 $0x1, v7;
	s7 =	sadd.s32 $0x0, s20;
	[tilespmem:s2+$0x0] =	vst v8  }
0x56: {  	s6 =	sadd.s32 s21, s26;
	v8 =	vadd.s32 s7, v2;
	v9 =	vld.idx.msk [tilespmem:v9+s10+$0x0], $0xffff;
	[tilespmem:s4+$0x0] =	vst v10  }
0x57: {  	s16 =	sshll.u32 s0, $0x4;
	v10 =	vadd.s32 $0x4, v5;
	[tilespmem:s6+$0x0] =	vst v11;
	v11 =	vld.idx.msk [tilespmem:v12+s10+$0x0], $0xffff  }
0x58: {  	s0 =	sadd.s32 s16, s17;
	v12 =	vld.idx.msk [tilespmem:v13+s10+$0x0], $0xffff;
	v13 =	vadd.s32 $0x6, v4  }
0x59: {  	v16 =	vadd.s32 $0x3, v6;
	[tilespmem:s0+$0x0] =	vst v14;
	v3 =	vmul.u32 $0x11, v3  }
0x5a: {  	s11 =	sadd.s32 s29, s15;
	s7 =	sadd.s32 $0x125E8, s25;
	v14 =	vld.idx.msk [tilespmem:v15+s10+$0x0], $0xffff  }
0x5b: {  	s15 =	sadd.s32 $0xD1E8, s23;
	s19 =	sadd.s32 s24, s7;
	v8 =	vld.idx.msk [tilespmem:v8+s8+$0x0], $0xffff;
	[tilespmem:s11+$0x0] =	vst v9  }
0x5c: {  	s14 =	sadd.s32 s29, s22;
	s22 =	simm.s32 $0x6;
	s20 =	sadd.s32 s21, s15;
	v15 =	vadd.s32 $0x2, v7;
	v10 =	vld.idx.msk [tilespmem:v10+s10+$0x0], $0xffff;
	[tilespmem:s19+$0x0] =	vst v11  }
0x5d: {  	s0 =	sand.u32 $0x6, s22;
	v11 =	vadd.s32 $0x5, v5;
	[tilespmem:s20+$0x0] =	vst v12;
	v12 =	vld.idx.msk [tilespmem:v13+s10+$0x0], $0xffff  }
0x5e: {  	s2 =	sadd.s32 s16, s26;
	s26 =	simm.s32 $0x40;
	s3 =	sor.u32 $0x1, s0;
	v13 =	vld.idx.msk [tilespmem:v16+s10+$0x0], $0xffff;
	v16 =	vadd.s32 $0x7, v4  }
0x5f: {  	v18 =	vadd.s32 $0x4, v6;
	s17 =	simm.s32 $0x40;
	s18 =	sand.u32 $0xC00, s26;
	s4 =	smul.u32 $0x320, s3;
	v17 =	vld.idx.msk [tilespmem:v3+s10+$0x0], $0xffff  }
0x60: {  	s19 =	sand.u32 $0x380, s17;
	[tilespmem:s2+$0x0] =	vst v14;
	s17 =	sshll.u32 s5, $0x4;
	s5 =	sadd.s32 $0x141E8, s25;
	v9 =	vmul.u32 $0x11, v8;
	v8 =	vadd.s32 $0x1, v3  }
0x61: {  	v14 =	vld.idx.msk [tilespmem:v15+s10+$0x0], $0xffff;
	s18 =	sor.u32 s19, s18;
	s6 =	sadd.s32 s24, s5;
	[tilespmem:s14+$0x0] =	vst v10;
	s14 =	sadd.s32 $0xEDE8, s23  }
0x62: {  	s2 =	sadd.s32 $0x0, s4;
	s20 =	sadd.s32 $0x99E8, s18;
	v10 =	vadd.s32 $0x3, v7;
	v11 =	vld.idx.msk [tilespmem:v11+s10+$0x0], $0xffff;
	s22 =	sadd.s32 s21, s14;
	[tilespmem:s6+$0x0] =	vst v12  }
0x63: {  	s11 =	sadd.s32 s17, s20;
	v12 =	vadd.s32 s2, v2;
	[tilespmem:s22+$0x0] =	vst v13;
	v13 =	vld.idx.msk [tilespmem:v16+s10+$0x0], $0xffff  }
0x64: {  	v15 =	vadd.s32 $0x6, v5;
	[tilespmem:s11+$0x0] =	vst v17;
	v16 =	vld.idx.msk [tilespmem:v18+s10+$0x0], $0xffff  }
0x65: {  	s15 =	sadd.s32 s16, s15;
	s19 =	smul.u32 $0x320, s0;
	v17 =	vadd.s32 $0x8, v4;
	v8 =	vld.idx.msk [tilespmem:v8+s10+$0x0], $0xffff  }
0x66: {  	[tilespmem:s15+$0x0] =	vst v14;
	v18 =	vadd.s32 $0x5, v6;
	v14 =	vld.idx.msk [tilespmem:v9+s10+$0x0], $0xffff  }
0x67: {  	s9 =	sadd.s32 $0x15DE8, s25;
	v19 =	vadd.s32 $0x2, v3;
	s26 =	sadd.s32 $0x0, s19;
	s22 =	sadd.s32 s29, s7;
	v10 =	vld.idx.msk [tilespmem:v10+s10+$0x0], $0xffff  }
0x68: {  	s4 =	sadd.s32 s24, s9;
	v20 =	vadd.s32 s26, v2;
	s2 =	sadd.s32 $0x109E8, s23;
	[tilespmem:s22+$0x0] =	vst v11;
	v11 =	vld.idx.msk [tilespmem:v12+s8+$0x0], $0xffff  }
0x69: {  	s6 =	sadd.s32 s21, s2;
	s22 =	sadd.s32 $0xB5E8, s18;
	v12 =	vadd.s32 $0x1, v9;
	v15 =	vld.idx.msk [tilespmem:v15+s10+$0x0], $0xffff;
	[tilespmem:s4+$0x0] =	vst v13  }
0x6a: {  	s11 =	sadd.s32 s17, s22;
	v13 =	vadd.s32 $0x4, v7;
	[tilespmem:s6+$0x0] =	vst v16;
	v16 =	vld.idx.msk [tilespmem:v17+s10+$0x0], $0xffff  }
0x6b: {  	s19 =	sshll.u32 s1, $0x4;
	v17 =	vadd.s32 $0x7, v5;
	[tilespmem:s11+$0x0] =	vst v8;
	v8 =	vld.idx.msk [tilespmem:v18+s10+$0x0], $0xffff  }
0x6c: {  	s1 =	sadd.s32 s19, s20;
	v18 =	vld.idx.msk [tilespmem:v19+s10+$0x0], $0xffff;
	v19 =	vadd.s32 $0x9, v4  }
0x6d: {  	s15 =	sadd.s32 s16, s14;
	[tilespmem:s1+$0x0] =	vst v14;
	v14 =	vld.idx.msk [tilespmem:v20+s8+$0x0], $0xffff;
	v20 =	vadd.s32 $0x6, v6  }
0x6e: {  	s5 =	sadd.s32 s29, s5;
	s1 =	sadd.s32 $0x179E8, s25;
	[tilespmem:s15+$0x0] =	vst v10;
	v4 =	vmul.u32 $0x11, v11;
	v10 =	vld.idx.msk [tilespmem:v12+s10+$0x0], $0xffff;
	v11 =	vadd.s32 $0x3, v3  }
0x6f: {  	s7 =	sadd.s32 $0x125E8, s23;
	s20 =	sadd.s32 s24, s1;
	[tilespmem:s5+$0x0] =	vst v15;
	v12 =	vld.idx.msk [tilespmem:v13+s10+$0x0], $0xffff  }
0x70: {  	s14 =	sadd.s32 $0xD1E8, s18;
	s26 =	sadd.s32 s21, s7;
	v13 =	vadd.s32 $0x2, v9;
	v15 =	vld.idx.msk [tilespmem:v17+s10+$0x0], $0xffff;
	[tilespmem:s20+$0x0] =	vst v16  }
0x71: {  	s28 =	simm.s32 $0x60;
	s4 =	sadd.s32 s17, s14;
	v16 =	vadd.s32 $0x5, v7;
	[tilespmem:s26+$0x0] =	vst v8;
	v8 =	vld.idx.msk [tilespmem:v19+s10+$0x0], $0xffff  }
0x72: {  	s30 =	sand.u32 $0x380, s28;
	s9 =	sadd.s32 s29, s9;
	v17 =	vadd.s32 $0x8, v5;
	s26 =	simm.s32 $0x8;
	[tilespmem:s4+$0x0] =	vst v18;
	v18 =	vld.idx.msk [tilespmem:v20+s10+$0x0], $0xffff  }
0x73: {  	s6 =	sadd.s32 s19, s22;
	s11 =	simm.s32 $0x60;
	s5 =	sand.u32 $0x6, s26;
	v19 =	vadd.s32 $0x7, v6;
	v11 =	vld.idx.msk [tilespmem:v11+s10+$0x0], $0xffff  }
0x74: {  	s2 =	sadd.s32 s16, s2;
	s22 =	sand.u32 $0xC00, s11;
	v23 =	vmul.u32 $0x11, v14;
	s28 =	sor.u32 $0x1, s5;
	[tilespmem:s6+$0x0] =	vst v10;
	v10 =	vadd.s32 $0x4, v3;
	v20 =	vld.idx.msk [tilespmem:v4+s10+$0x0], $0xffff  }
0x75: {  	s22 =	sor.u32 s30, s22;
	s15 =	smul.u32 $0x320, s28;
	v13 =	vld.idx.msk [tilespmem:v13+s10+$0x0], $0xffff;
	[tilespmem:s2+$0x0] =	vst v12;
	s2 =	sadd.s32 $0x141E8, s23  }
0x76: {  	s31 =	sadd.s32 $0x99E8, s22;
	v12 =	vadd.s32 $0x1, v4;
	v14 =	vld.idx.msk [tilespmem:v16+s10+$0x0], $0xffff;
	[tilespmem:s9+$0x0] =	vst v15;
	s9 =	sadd.s32 $0xEDE8, s18;
	s30 =	sadd.s32 s21, s2  }
0x77: {  	s20 =	sshll.u32 s3, $0x4;
	v15 =	vadd.s32 $0x3, v9;
	s3 =	sadd.s32 $0x1, s15;
	v16 =	vld.idx.msk [tilespmem:v17+s10+$0x0], $0xffff;
	[tilespmem:s30+$0x0] =	vst v18;
	s30 =	sadd.s32 s17, s9  }
0x78: {  	s4 =	sadd.s32 s20, s31;
	v17 =	vadd.s32 s3, v2;
	[tilespmem:s30+$0x0] =	vst v11;
	v11 =	vld.idx.msk [tilespmem:v19+s10+$0x0], $0xffff  }
0x79: {  	s11 =	smul.u32 $0x320, s5;
	s6 =	sadd.s32 s19, s14;
	v18 =	vadd.s32 $0x6, v7;
	[tilespmem:s4+$0x0] =	vst v20;
	v10 =	vld.idx.msk [tilespmem:v10+s10+$0x0], $0xffff  }
0x7a: {  	s14 =	sadd.s32 $0x195E8, s25;
	v19 =	vadd.s32 $0x8, v6;
	[tilespmem:s6+$0x0] =	vst v13;
	v13 =	vld.idx.msk [tilespmem:v23+s10+$0x0], $0xffff  }
0x7b: {  	s24 =	sadd.s32 s24, s14;
	v20 =	vadd.s32 $0x5, v3;
	s4 =	sadd.s32 $0x1, s11;
	v12 =	vld.idx.msk [tilespmem:v12+s10+$0x0], $0xffff  }
0x7c: {  	s15 =	sadd.s32 s16, s7;
	[tilespmem:s24+$0x0] =	vst v8;
	s30 =	sadd.s32 $0x15DE8, s23;
	v15 =	vld.idx.msk [tilespmem:v15+s10+$0x0], $0xffff;
	v21 =	vadd.s32 s4, v2  }
0x7d: {  	v8 =	vadd.s32 $0x2, v4;
	s3 =	sadd.s32 $0x109E8, s18;
	s6 =	sadd.s32 s21, s30;
	[tilespmem:s15+$0x0] =	vst v14;
	v28 =	vld.idx.msk [tilespmem:v17+s8+$0x0], $0xffff  }
0x7e: {  	s15 =	sadd.s32 s17, s3;
	v24 =	vld.idx.msk [tilespmem:v18+s10+$0x0], $0xffff;
	[tilespmem:s6+$0x0] =	vst v11;
	v11 =	vadd.s32 $0x4, v9  }
0x7f: {  	s1 =	sadd.s32 s29, s1;
	s11 =	sadd.s32 $0xB5E8, s22;
	v17 =	vadd.s32 $0x1, v23;
	[tilespmem:s15+$0x0] =	vst v10;
	v29 =	vld.idx.msk [tilespmem:v19+s10+$0x0], $0xffff  }
0x80: {  	v25 =	vadd.s32 $0x7, v7;
	s25 =	sadd.s32 s20, s11;
	[tilespmem:s1+$0x0] =	vst v16;
	v30 =	vld.idx.msk [tilespmem:v20+s10+$0x0], $0xffff  }
0x81: {  	v32 =	vadd.s32 $0x9, v6;
	v33 =	vadd.s32 $0x6, v3;
	s24 =	sshll.u32 s0, $0x4;
	[tilespmem:s25+$0x0] =	vst v12;
	s25 =	sshll.u32 s5, $0x4;
	s5 =	sadd.s32 s19, s9;
	v22 =	vld.idx.msk [tilespmem:v21+s8+$0x0], $0xffff  }
0x82: {  	v6 =	vadd.s32 $0x9, v9;
	v14 =	vadd.s32 $0x9, v5;
	s4 =	sadd.s32 s24, s31;
	v5 =	vadd.s32 $0x9, v7;
	v31 =	vld.idx.msk [tilespmem:v8+s10+$0x0], $0xffff;
	[tilespmem:s5+$0x0] =	vst v15  }
0x83: {  	s29 =	sadd.s32 s29, s14;
	v16 =	vadd.s32 $0x8, v7;
	s6 =	sadd.s32 s16, s2;
	[tilespmem:s4+$0x0] =	vst v13;
	s9 =	sadd.s32 $0x179E8, s23;
	v26 =	vld.idx.msk [tilespmem:v11+s10+$0x0], $0xffff;
	v11 =	vmul.u32 $0x11, v28;
	v28 =	vadd.s32 $0x3, v4  }
0x84: {  	s7 =	sadd.s32 $0x125E8, s18;
	s14 =	sadd.s32 s19, s3;
	v18 =	vadd.s32 $0x5, v9;
	v7 =	vadd.s32 $0x9, v23;
	v13 =	vadd.s32 $0x6, v9;
	v27 =	vld.idx.msk [tilespmem:v17+s10+$0x0], $0xffff;
	[tilespmem:s6+$0x0] =	vst v24;
	s15 =	sadd.s32 s21, s9  }
0x85: {  	s0 =	sadd.s32 s16, s30;
	v10 =	vadd.s32 $0x7, v9;
	v19 =	vadd.s32 $0x4, v23;
	s4 =	sadd.s32 $0xD1E8, s22;
	v21 =	vadd.s32 $0x2, v23;
	s6 =	sadd.s32 s17, s7;
	v25 =	vld.idx.msk [tilespmem:v25+s10+$0x0], $0xffff;
	[tilespmem:s15+$0x0] =	vst v29  }
0x86: {  	s31 =	sadd.s32 s19, s7;
	s1 =	simm.s32 $0x80;
	v20 =	vadd.s32 $0x3, v23;
	v12 =	vadd.s32 $0x7, v23;
	v8 =	vadd.s32 $0x8, v9;
	s15 =	sadd.s32 s20, s4;
	[tilespmem:s6+$0x0] =	vst v30;
	v24 =	vld.idx.msk [tilespmem:v32+s10+$0x0], $0xffff  }
0x87: {  	s3 =	sadd.s32 s24, s4;
	v17 =	vadd.s32 $0x5, v23;
	v15 =	vadd.s32 $0x6, v23;
	v9 =	vadd.s32 $0x8, v23;
	s5 =	sadd.s32 s24, s11;
	s30 =	sadd.s32 s16, s9;
	[tilespmem:s15+$0x0] =	vst v31;
	v23 =	vld.idx.msk [tilespmem:v33+s10+$0x0], $0xffff  }
.LBB2_4:
0x88: {  	v22 =	vmul.u32 $0x11, v22;
	s2 =	sand.u32 $0xC00, s1;
	s7 =	sshll.u32 s26, $0x4;
	s26 =	sadd.s32 $0x2, s26;
	v28 =	vld.idx.msk [tilespmem:v28+s10+$0x0], $0xffff  }
0x89: {  	s11 =	sshrl.u32 s26, $0x3;
	s9 =	sand.u32 $0x6, s26;
	s7 =	sand.u32 $0x380, s7;
	v29 =	vld.idx.msk [tilespmem:v11+s10+$0x0], $0xffff;
	[tilespmem:s5+$0x0] =	vst v27;
	v27 =	vadd.s32 $0x7, v3  }
0x8a: {  	v32 =	vadd.s32 $0x4, v4;
	s5 =	sshll.u32 s28, $0x4;
	v30 =	vadd.s32 $0x1, v22;
	s28 =	sor.u32 $0x1, s9;
	v31 =	vld.idx.msk [tilespmem:v21+s10+$0x0], $0xffff;
	v21 =	vadd.s32 $0x2, v22;
	[tilespmem:s14+$0x0] =	vst v26;
	s14 =	sadd.s32 $0x195E8, s23  }
0x8b: {  	v34 =	vadd.s32 $0x1, v11;
	s15 =	sadd.s32 $0x141E8, s18;
	v26 =	vadd.s32 $0x3, v22;
	v33 =	vadd.s32 $0x4, v22;
	s23 =	smul.u32 $0x320, s28;
	v35 =	vld.idx.msk [tilespmem:v18+s10+$0x0], $0xffff;
	[tilespmem:s0+$0x0] =	vst v25;
	s0 =	sadd.s32 s21, s14;
	v18 =	vmovc v17  }
0x8c: {  	s7 =	sor.u32 s7, s2;
	v36 =	vadd.s32 $0x7, v22;
	s2 =	sadd.s32 $0xEDE8, s22;
	v17 =	vadd.s32 $0x5, v22;
	v25 =	vadd.s32 $0x6, v22;
	s21 =	sadd.s32 s17, s15;
	v37 =	vld.idx.msk [tilespmem:v16+s10+$0x0], $0xffff;
	[tilespmem:s0+$0x0] =	vst v24;
	v16 =	vmovc v8;
	v8 =	vmovc v9  }
0x8d: {  	s6 =	sadd.s32 s20, s2;
	v9 =	vadd.s32 $0x8, v22;
	s0 =	sadd.s32 s11, s23;
	s23 =	sadd.s32 $0x99E8, s7;
	[tilespmem:s21+$0x0] =	vst v23;
	v23 =	vld.idx.msk [tilespmem:v14+s10+$0x0], $0xffff;
	v14 =	vmovc v5;
	v5 =	vmovc v6;
	v6 =	vmov v7;
	v7 =	vadd.s32 $0x9, v22  }
0x8e: {  	s21 =	smul.u32 $0x320, s9;
	s9 =	sshll.u32 s9, $0x4;
	v24 =	vadd.s32 s0, v2;
	s0 =	sadd.s32 s5, s23;
	[tilespmem:s6+$0x0] =	vst v28;
	v27 =	vld.idx.msk [tilespmem:v27+s10+$0x0], $0xffff  }
0x8f: {  	s4 =	sadd.s32 s24, s2;
	s2 =	sadd.s32 s19, s15;
	s6 =	sadd.s32 s25, s23;
	[tilespmem:s0+$0x0] =	vst v29;
	v28 =	vld.idx.msk [tilespmem:v32+s10+$0x0], $0xffff  }
0x90: {  	p0 =	slt.u32 s26, $0xFE;
	s0 =	sadd.s32 s11, s21;
	v29 =	vld.idx.msk [tilespmem:v34+s10+$0x0], $0xffff;
	[tilespmem:s3+$0x0] =	vst v31;
	v31 =	vadd.s32 $0x8, v3;
	s3 =	sadd.s32 s16, s14  }
0x91: {  	s21 =	smov.u32 s17;
	s17 =	smov.u32 s20;
	s20 =	smov.u32 s5;
	v32 =	vadd.s32 s0, v2;
	v34 =	vadd.s32 $0x5, v4;
	v22 =	vld.idx.msk [tilespmem:v22+s10+$0x0], $0xffff;
	[tilespmem:s31+$0x0] =	vst v35  }
0x92: {  	s23 =	smov.u32 s18;
	s5 =	sadd.s32 $0x15DE8, s18;
	s18 =	smov.u32 s22;
	v35 =	vadd.s32 $0x2, v11;
	v38 =	vld.idx.msk [tilespmem:v20+s10+$0x0], $0xffff;
	[tilespmem:s30+$0x0] =	vst v37;
	v20 =	vmov v26  }
0x93: {  	s11 =	sadd.s32 $0x109E8, s18;
	s0 =	sadd.s32 s19, s5;
	s5 =	sadd.s32 s21, s5;
	v24 =	vld.idx.msk [tilespmem:v24+s8+$0x0], $0xffff;
	[tilespmem:s29+$0x0] =	vst v23  }
0x94: {  	s15 =	sadd.s32 $0xB5E8, s7;
	s14 =	sadd.s32 s24, s11;
	s11 =	sadd.s32 s17, s11;
	v23 =	vld.idx.msk [tilespmem:v13+s10+$0x0], $0xffff;
	[tilespmem:s5+$0x0] =	vst v27;
	v13 =	vmov v15;
	v15 =	vmov v25  }
0x95: {  	s22 =	smov.u32 s7;
	s5 =	sadd.s32 s25, s15;
	s15 =	sadd.s32 s20, s15;
	[tilespmem:s11+$0x0] =	vst v28;
	v31 =	vld.idx.msk [tilespmem:v31+s10+$0x0], $0xffff  }
0x96: {  	s16 =	smov.u32 s19;
	s19 =	smov.u32 s24;
	s24 =	smov.u32 s25;
	[tilespmem:s15+$0x0] =	vst v29;
	v29 =	vld.idx.msk [tilespmem:v34+s10+$0x0], $0xffff  }
0x97: {  	s29 =	smov.u32 s3;
	s25 =	smov.u32 s9;
	[tilespmem:s6+$0x0] =	vst v22;
	v34 =	vld.idx.msk [tilespmem:v35+s10+$0x0], $0xffff;
	v35 =	vadd.s32 $0x9, v3;
	v3 =	vmov v4;
	v4 =	vmov v11  }
0x98: {  	v22 =	vld.idx.msk [tilespmem:v32+s8+$0x0], $0xffff;
	[tilespmem:s4+$0x0] =	vst v38;
	v32 =	vadd.s32 $0x6, v3  }
.Ltmp1:
0x99: {  	s3 =	sadd.s32 $0x179E8, s23;
	v11 =	vmul.u32 $0x11, v24;
	v28 =	vadd.s32 $0x3, v4;
	v27 =	vld.idx.msk [tilespmem:v30+s10+$0x0], $0xffff;
	(pc) =	sbr.rel @p0 .LBB2_4-.Ltmp1, $4  }
0x9a: {  	s30 =	sadd.s32 s16, s3;
	s4 =	sadd.s32 $0x125E8, s18;
	v26 =	vld.idx.msk [tilespmem:v19+s10+$0x0], $0xffff;
	[tilespmem:s2+$0x0] =	vst v23;
	s2 =	sadd.s32 s21, s3;
	v19 =	vmov v33  }
0x9b: {  	s6 =	sadd.s32 $0xD1E8, s22;
	s31 =	sadd.s32 s19, s4;
	s4 =	sadd.s32 s17, s4;
	v25 =	vld.idx.msk [tilespmem:v10+s10+$0x0], $0xffff;
	[tilespmem:s2+$0x0] =	vst v31;
	v10 =	vmov v12;
	v12 =	vmov v36  }
0x9c: {  	s3 =	sadd.s32 s24, s6;
	s2 =	sadd.s32 s20, s6;
	[tilespmem:s4+$0x0] =	vst v29;
	v24 =	vld.idx.msk [tilespmem:v35+s10+$0x0], $0xffff  }
0x9d: {  	s1 =	sadd.s32 $0x20, s1;
	[tilespmem:s2+$0x0] =	vst v34;
	v23 =	vld.idx.msk [tilespmem:v32+s10+$0x0], $0xffff  }
0x9e: {  	v22 =	vmul.u32 $0x11, v22;
	_ =	sdelay $0x4  }
0x9f: {  	s2 =	sshll.u32 s26, $0x4;
	v29 =	vld.idx.msk [tilespmem:v11+s10+$0x0], $0xffff  }
0xa0: {  	s1 =	sand.u32 $0xC00, s1;
	v30 =	vadd.s32 $0x1, v11;
	s2 =	sand.u32 $0x380, s2;
	v31 =	vld.idx.msk [tilespmem:v22+s10+$0x0], $0xffff  }
0xa1: {  	s26 =	sor.u32 s2, s1;
	v32 =	vadd.s32 $0x1, v22  }
0xa2: {  	s28 =	sshll.u32 s28, $0x4;
	s1 =	sadd.s32 $0x99E8, s26  }
0xa3: {  	s11 =	sadd.s32 s28, s1  }
0xa4: {  	s1 =	sadd.s32 s25, s1;
	[tilespmem:s11+$0x0] =	vst v29  }
0xa5: {  	v29 =	vld.idx.msk [tilespmem:v30+s10+$0x0], $0xffff;
	[tilespmem:s1+$0x0] =	vst v31  }
0xa6: {  	v30 =	vadd.s32 $0x2, v11;
	v31 =	vld.idx.msk [tilespmem:v32+s10+$0x0], $0xffff  }
0xa7: {  	[tilespmem:s5+$0x0] =	vst v27;
	v62 =	vadd.s32 $0x2, v22  }
0xa8: {  	v21 =	vld.idx.msk [tilespmem:v21+s10+$0x0], $0xffff;
	s15 =	sadd.s32 $0xB5E8, s26  }
0xa9: {  	s4 =	sadd.s32 s28, s15  }
0xaa: {  	[tilespmem:s4+$0x0] =	vst v29;
	s1 =	sadd.s32 s25, s15  }
0xab: {  	v27 =	vld.idx.msk [tilespmem:v30+s10+$0x0], $0xffff;
	[tilespmem:s1+$0x0] =	vst v31  }
0xac: {  	v29 =	vadd.s32 $0x3, v11;
	v30 =	vld.idx.msk [tilespmem:v62+s10+$0x0], $0xffff  }
0xad: {  	[tilespmem:s3+$0x0] =	vst v21;
	v31 =	vadd.s32 $0x3, v22  }
0xae: {  	s6 =	sadd.s32 $0xD1E8, s26;
	v20 =	vld.idx.msk [tilespmem:v20+s10+$0x0], $0xffff  }
0xaf: {  	v28 =	vld.idx.msk [tilespmem:v28+s10+$0x0], $0xffff;
	[tilespmem:s14+$0x0] =	vst v26;
	s7 =	sadd.s32 s28, s6  }
0xb0: {  	v26 =	vadd.s32 $0x4, v4;
	[tilespmem:s7+$0x0] =	vst v27;
	s1 =	sadd.s32 s25, s6  }
0xb1: {  	s9 =	sadd.s32 $0xEDE8, s22;
	v21 =	vld.idx.msk [tilespmem:v29+s10+$0x0], $0xffff;
	[tilespmem:s1+$0x0] =	vst v30  }
0xb2: {  	[tilespmem:s0+$0x0] =	vst v25;
	s2 =	sadd.s32 s24, s9;
	v27 =	vadd.s32 $0x4, v11;
	v25 =	vld.idx.msk [tilespmem:v31+s10+$0x0], $0xffff  }
0xb3: {  	s11 =	sadd.s32 s20, s9;
	[tilespmem:s2+$0x0] =	vst v20;
	v29 =	vadd.s32 $0x4, v22;
	s1 =	sadd.s32 $0x195E8, s23  }
0xb4: {  	[tilespmem:s11+$0x0] =	vst v28;
	s15 =	sadd.s32 $0xEDE8, s26;
	v19 =	vld.idx.msk [tilespmem:v19+s10+$0x0], $0xffff;
	s14 =	sadd.s32 s21, s1  }
0xb5: {  	s21 =	sadd.s32 s28, s15;
	[tilespmem:s14+$0x0] =	vst v24;
	v24 =	vld.idx.msk [tilespmem:v26+s10+$0x0], $0xffff  }
0xb6: {  	v18 =	vld.idx.msk [tilespmem:v18+s10+$0x0], $0xffff;
	s3 =	sadd.s32 $0x141E8, s18;
	s0 =	sadd.s32 s25, s15;
	v26 =	vadd.s32 $0x5, v4;
	[tilespmem:s21+$0x0] =	vst v21  }
0xb7: {  	s4 =	sadd.s32 $0x109E8, s22;
	s23 =	sadd.s32 s17, s3;
	v20 =	vld.idx.msk [tilespmem:v27+s10+$0x0], $0xffff;
	[tilespmem:s0+$0x0] =	vst v25  }
0xb8: {  	s5 =	sadd.s32 s20, s4;
	s4 =	sadd.s32 s24, s4;
	[tilespmem:s23+$0x0] =	vst v23;
	v21 =	vadd.s32 $0x5, v11;
	v23 =	vld.idx.msk [tilespmem:v29+s10+$0x0], $0xffff  }
0xb9: {  	v16 =	vld.idx.msk [tilespmem:v16+s10+$0x0], $0xffff;
	[tilespmem:s4+$0x0] =	vst v19;
	v25 =	vadd.s32 $0x5, v22  }
0xba: {  	s6 =	sadd.s32 $0x109E8, s26;
	v17 =	vld.idx.msk [tilespmem:v17+s10+$0x0], $0xffff;
	[tilespmem:s5+$0x0] =	vst v24;
	v24 =	vadd.s32 $0x7, v3  }
0xbb: {  	[tilespmem:s31+$0x0] =	vst v18;
	s7 =	sadd.s32 s28, s6;
	v18 =	vld.idx.msk [tilespmem:v26+s10+$0x0], $0xffff  }
0xbc: {  	v14 =	vld.idx.msk [tilespmem:v14+s10+$0x0], $0xffff;
	s0 =	sadd.s32 s25, s6;
	[tilespmem:s7+$0x0] =	vst v20  }
0xbd: {  	s9 =	sadd.s32 $0x125E8, s22;
	v26 =	vadd.s32 $0x6, v4;
	v19 =	vld.idx.msk [tilespmem:v21+s10+$0x0], $0xffff;
	[tilespmem:s0+$0x0] =	vst v23  }
0xbe: {  	[tilespmem:s30+$0x0] =	vst v16;
	s2 =	sadd.s32 s24, s9;
	v20 =	vadd.s32 $0x6, v11;
	v16 =	vld.idx.msk [tilespmem:v25+s10+$0x0], $0xffff  }
0xbf: {  	s11 =	sadd.s32 s20, s9;
	[tilespmem:s2+$0x0] =	vst v17;
	v21 =	vadd.s32 $0x6, v22;
	v23 =	vld.idx.msk [tilespmem:v24+s10+$0x0], $0xffff  }
0xc0: {  	v13 =	vld.idx.msk [tilespmem:v13+s10+$0x0], $0xffff;
	s14 =	sadd.s32 $0x125E8, s26;
	[tilespmem:s11+$0x0] =	vst v18;
	v18 =	vadd.s32 $0x8, v3  }
0xc1: {  	[tilespmem:s29+$0x0] =	vst v14;
	v15 =	vld.idx.msk [tilespmem:v15+s10+$0x0], $0xffff;
	s15 =	sadd.s32 s28, s14  }
0xc2: {  	s4 =	sadd.s32 $0x15DE8, s18;
	s0 =	sadd.s32 s25, s14;
	v14 =	vld.idx.msk [tilespmem:v26+s10+$0x0], $0xffff;
	[tilespmem:s15+$0x0] =	vst v19  }
0xc3: {  	s21 =	sadd.s32 s17, s4;
	v24 =	vadd.s32 $0x7, v4;
	v17 =	vld.idx.msk [tilespmem:v20+s10+$0x0], $0xffff;
	[tilespmem:s0+$0x0] =	vst v16  }
0xc4: {  	s3 =	sadd.s32 s19, s3;
	s23 =	sadd.s32 $0x141E8, s22;
	v19 =	vadd.s32 $0x7, v11;
	[tilespmem:s21+$0x0] =	vst v23;
	v16 =	vld.idx.msk [tilespmem:v21+s10+$0x0], $0xffff  }
0xc5: {  	[tilespmem:s3+$0x0] =	vst v13;
	s9 =	sadd.s32 s24, s23;
	v20 =	vadd.s32 $0x7, v22;
	v18 =	vld.idx.msk [tilespmem:v18+s10+$0x0], $0xffff  }
0xc6: {  	s2 =	sadd.s32 s20, s23;
	v10 =	vld.idx.msk [tilespmem:v10+s10+$0x0], $0xffff;
	s6 =	sadd.s32 $0x141E8, s26;
	[tilespmem:s9+$0x0] =	vst v15;
	v3 =	vadd.s32 $0x9, v3  }
0xc7: {  	s7 =	sadd.s32 s28, s6;
	v12 =	vld.idx.msk [tilespmem:v12+s10+$0x0], $0xffff;
	[tilespmem:s2+$0x0] =	vst v14  }
0xc8: {  	s0 =	sadd.s32 s25, s6;
	s2 =	sadd.s32 $0x179E8, s18;
	v13 =	vld.idx.msk [tilespmem:v24+s10+$0x0], $0xffff;
	[tilespmem:s7+$0x0] =	vst v17  }
0xc9: {  	v14 =	vadd.s32 $0x8, v4;
	s11 =	sadd.s32 s17, s2;
	v15 =	vld.idx.msk [tilespmem:v19+s10+$0x0], $0xffff;
	[tilespmem:s0+$0x0] =	vst v16  }
0xca: {  	s14 =	sadd.s32 $0x15DE8, s22;
	s21 =	sadd.s32 s19, s4;
	v17 =	vadd.s32 $0x8, v11;
	[tilespmem:s11+$0x0] =	vst v18;
	v16 =	vld.idx.msk [tilespmem:v20+s10+$0x0], $0xffff  }
0xcb: {  	[tilespmem:s21+$0x0] =	vst v10;
	s6 =	sadd.s32 s24, s14;
	v18 =	vadd.s32 $0x8, v22;
	v3 =	vld.idx.msk [tilespmem:v3+s10+$0x0], $0xffff  }
0xcc: {  	s23 =	sadd.s32 $0x15DE8, s26;
	s15 =	sadd.s32 s20, s14;
	v8 =	vld.idx.msk [tilespmem:v8+s10+$0x0], $0xffff;
	[tilespmem:s6+$0x0] =	vst v12  }
0xcd: {  	s4 =	sadd.s32 s28, s23;
	v9 =	vld.idx.msk [tilespmem:v9+s10+$0x0], $0xffff;
	[tilespmem:s15+$0x0] =	vst v13  }
0xce: {  	s7 =	sadd.s32 $0x195E8, s18;
	s0 =	sadd.s32 s25, s23;
	v10 =	vld.idx.msk [tilespmem:v14+s10+$0x0], $0xffff;
	[tilespmem:s4+$0x0] =	vst v15  }
0xcf: {  	v4 =	vadd.s32 $0x9, v4;
	s9 =	sadd.s32 s17, s7;
	v12 =	vld.idx.msk [tilespmem:v17+s10+$0x0], $0xffff;
	[tilespmem:s0+$0x0] =	vst v16  }
0xd0: {  	v11 =	vadd.s32 $0x9, v11;
	s2 =	sadd.s32 s19, s2;
	s11 =	sadd.s32 $0x179E8, s22;
	[tilespmem:s9+$0x0] =	vst v3;
	v3 =	vld.idx.msk [tilespmem:v18+s10+$0x0], $0xffff  }
0xd1: {  	v5 =	vld.idx.msk [tilespmem:v5+s10+$0x0], $0xffff;
	[tilespmem:s2+$0x0] =	vst v8;
	s18 =	sadd.s32 s24, s11;
	v13 =	vadd.s32 $0x9, v22  }
0xd2: {  	s14 =	sadd.s32 s20, s11;
	s15 =	sadd.s32 $0x179E8, s26;
	v6 =	vld.idx.msk [tilespmem:v6+s10+$0x0], $0xffff;
	[tilespmem:s18+$0x0] =	vst v9  }
0xd3: {  	s17 =	sadd.s32 s28, s15;
	v7 =	vld.idx.msk [tilespmem:v7+s10+$0x0], $0xffff;
	[tilespmem:s14+$0x0] =	vst v10  }
0xd4: {  	s0 =	sadd.s32 s25, s15;
	v4 =	vld.idx.msk [tilespmem:v4+s10+$0x0], $0xffff;
	[tilespmem:s17+$0x0] =	vst v12  }
0xd5: {  	s1 =	sadd.s32 s16, s1;
	v8 =	vld.idx.msk [tilespmem:v11+s10+$0x0], $0xffff;
	[tilespmem:s0+$0x0] =	vst v3  }
0xd6: {  	[tilespmem:s1+$0x0] =	vst v5;
	s21 =	sadd.s32 $0x195E8, s22;
	s23 =	sadd.s32 s19, s7;
	v3 =	vld.idx.msk [tilespmem:v13+s10+$0x0], $0xffff  }
0xd7: {  	s2 =	sadd.s32 s24, s21;
	[tilespmem:s23+$0x0] =	vst v6  }
0xd8: {  	s3 =	sadd.s32 $0x195E8, s26;
	s22 =	sadd.s32 s20, s21;
	[tilespmem:s2+$0x0] =	vst v7  }
0xd9: {  	s4 =	sadd.s32 s28, s3;
	[tilespmem:s22+$0x0] =	vst v4  }
0xda: {  	s0 =	sadd.s32 s25, s3;
	[tilespmem:s4+$0x0] =	vst v8  }
0xdb: {  	[tilespmem:s0+$0x0] =	vst v3  }
0xdc: {  	s5 =	simm.s32 $0x99E8;
	s4 =	rddreg [dreg:$0x4]  }
0xdd: {  	[hbm4b:s4+s12] =	stream.strided.scatter [tilespmem:s5], [sflag:$0x1], $0x1000, s13, s12, $0x38;
	[tilespmem:$0x1B1E8] =	vst v63  }
0xde: {  	s7 =	simm.s32 $0xB5E8;
	s6 =	sadd.s32 $0x7000, s4  }
0xdf: {  	[hbm4b:s6+s12] =	stream.strided.scatter [tilespmem:s7], [sflag:$0x1], $0x1000, s13, s12, $0x38;
	[tilespmem:$0x1B1E8] =	vst v63  }
0xe0: {  	s11 =	simm.s32 $0xD1E8;
	s9 =	sadd.s32 $0xE000, s4  }
0xe1: {  	[hbm4b:s9+s12] =	stream.strided.scatter [tilespmem:s11], [sflag:$0x1], $0x1000, s13, s12, $0x38;
	[tilespmem:$0x1B1E8] =	vst v63  }
0xe2: {  	s20 =	simm.s32 $0x100;
	s15 =	simm.s32 $0xEDE8;
	s14 =	sadd.s32 $0x15000, s4  }
0xe3: {  	[hbm4b:s14+s12] =	stream.strided.scatter [tilespmem:s15], [sflag:$0x1], $0x1000, s13, s12, $0x38;
	[tilespmem:$0x1B1E8] =	vst v63  }
0xe4: {  	s1 =	sand.u32 $0x6, s20;
	s17 =	simm.s32 $0x109E8;
	s16 =	sadd.s32 $0x1C000, s4  }
0xe5: {  	[hbm4b:s16+s12] =	stream.strided.scatter [tilespmem:s17], [sflag:$0x1], $0x1000, s13, s12, $0x38;
	[tilespmem:$0x1B1E8] =	vst v63  }
0xe6: {  	s19 =	simm.s32 $0x125E8;
	s21 =	sor.u32 $0x1, s1;
	s18 =	sadd.s32 $0x23000, s4  }
0xe7: {  	[hbm4b:s18+s12] =	stream.strided.scatter [tilespmem:s19], [sflag:$0x1], $0x1000, s13, s12, $0x38;
	[tilespmem:$0x1B1E8] =	vst v63  }
0xe8: {  	s24 =	simm.s32 $0x141E8;
	s23 =	smul.u32 $0x320, s21;
	s22 =	sadd.s32 $0x2A000, s4  }
0xe9: {  	[hbm4b:s22+s12] =	stream.strided.scatter [tilespmem:s24], [sflag:$0x1], $0x1000, s13, s12, $0x38;
	[tilespmem:$0x1B1E8] =	vst v63  }
0xea: {  	s26 =	simm.s32 $0x15DE8;
	s3 =	sadd.s32 $0x20, s23;
	s25 =	sadd.s32 $0x31000, s4  }
0xeb: {  	v3 =	vadd.s32 s3, v2;
	[hbm4b:s25+s12] =	stream.strided.scatter [tilespmem:s26], [sflag:$0x1], $0x1000, s13, s12, $0x38;
	[tilespmem:$0x1B1E8] =	vst v63  }
0xec: {  	s6 =	sadd.s32 $0x38000, s4;
	s7 =	simm.s32 $0x179E8  }
0xed: {  	[hbm4b:s6+s12] =	stream.strided.scatter [tilespmem:s7], [sflag:$0x1], $0x1000, s13, s12, $0x38;
	[tilespmem:$0x1B1E8] =	vst v63  }
0xee: {  	s9 =	sadd.s32 $0x3F000, s4;
	s11 =	simm.s32 $0x195E8  }
0xef: {  	[hbm4b:s9+s12] =	stream.strided.scatter [tilespmem:s11], [sflag:$0x1], $0x1000, s13, s12, $0x38;
	[tilespmem:$0x1B1E8] =	vst v63  }
0xf0: {  	v3 =	vld.idx.msk [tilespmem:v3+s8+$0x0], $0xffff;
	_ =	sdelay $0x1  }
0xf1: {  	s13 =	smul.u32 $0x320, s1;
	_ =	sdelay $0x1  }
0xf2: {  	s0 =	sadd.s32 $0x20, s13  }
0xf3: {  	v5 =	vadd.s32 s0, v2;
	v4 =	vmul.u32 $0x11, v3;
	_ =	sdelay $0x2  }
0xf4: {  	s14 =	simm.s32 $0x102  }
0xf5: {  	s0 =	sand.u32 $0x6, s14  }
0xf6: {  	s15 =	sor.u32 $0x1, s0;
	v3 =	vld.idx.msk [tilespmem:v5+s8+$0x0], $0xffff  }
0xf7: {  	s16 =	simm.s32 $0x1000;
	s17 =	simm.s32 $0x1000;
	s6 =	smul.u32 $0x320, s15;
	v6 =	vld.idx.msk [tilespmem:v4+s10+$0x0], $0xffff  }
0xf8: {  	s4 =	sand.u32 $0x1C00, s16;
	s5 =	sand.u32 $0x380, s17;
	v7 =	vadd.s32 $0x1, v4  }
0xf9: {  	s25 =	sor.u32 s5, s4;
	s18 =	sadd.s32 $0x20, s6  }
0xfa: {  	s24 =	sshll.u32 s21, $0x4;
	s19 =	sadd.s32 $0x99E8, s25;
	v8 =	vadd.s32 s18, v2  }
0xfb: {  	s20 =	sadd.s32 s24, s19  }
0xfc: {  	v5 =	vmul.u32 $0x11, v3;
	[tilespmem:s20+$0x0] =	vst v6  }
0xfd: {  	v3 =	vld.idx.msk [tilespmem:v7+s10+$0x0], $0xffff  }
0xfe: {  	s21 =	smul.u32 $0x320, s0;
	v6 =	vadd.s32 $0x2, v4  }
0xff: {  	v7 =	vld.idx.msk [tilespmem:v8+s8+$0x0], $0xffff  }
0x100: {  	s22 =	sadd.s32 $0xB5E8, s25;
	s4 =	sadd.s32 $0x20, s21  }
0x101: {  	s23 =	sadd.s32 s24, s22;
	v8 =	vadd.s32 s4, v2  }
0x102: {  	v9 =	vld.idx.msk [tilespmem:v5+s10+$0x0], $0xffff;
	[tilespmem:s23+$0x0] =	vst v3  }
0x103: {  	v3 =	vadd.s32 $0x1, v5;
	v10 =	vld.idx.msk [tilespmem:v6+s10+$0x0], $0xffff  }
0x104: {  	v6 =	vmul.u32 $0x11, v7;
	v7 =	vadd.s32 $0x3, v4  }
0x105: {  	s29 =	sshll.u32 s1, $0x4  }
0x106: {  	s26 =	sadd.s32 $0xD1E8, s25;
	s1 =	sadd.s32 s29, s19;
	v8 =	vld.idx.msk [tilespmem:v8+s8+$0x0], $0xffff  }
0x107: {  	s9 =	sadd.s32 s24, s26;
	s11 =	simm.s32 $0x104;
	[tilespmem:s1+$0x0] =	vst v9  }
0x108: {  	s1 =	sand.u32 $0x6, s11;
	v3 =	vld.idx.msk [tilespmem:v3+s10+$0x0], $0xffff;
	[tilespmem:s9+$0x0] =	vst v10  }
0x109: {  	v9 =	vadd.s32 $0x2, v5;
	s5 =	sor.u32 $0x1, s1;
	v10 =	vld.idx.msk [tilespmem:v7+s10+$0x0], $0xffff  }
0x10a: {  	s7 =	simm.s32 $0x1020;
	s12 =	simm.s32 $0x1020;
	v12 =	vadd.s32 $0x4, v4;
	s9 =	smul.u32 $0x320, s5;
	v11 =	vld.idx.msk [tilespmem:v6+s10+$0x0], $0xffff  }
0x10b: {  	s7 =	sand.u32 $0x380, s7;
	s13 =	sadd.s32 $0xEDE8, s25;
	s4 =	sand.u32 $0x1C00, s12;
	v13 =	vadd.s32 $0x1, v6;
	v7 =	vmul.u32 $0x11, v8  }
0x10c: {  	s6 =	sadd.s32 s29, s22;
	s23 =	sor.u32 s7, s4;
	s14 =	sadd.s32 $0x20, s9  }
0x10d: {  	s16 =	sadd.s32 s24, s13;
	s21 =	sshll.u32 s15, $0x4;
	s15 =	sadd.s32 $0x99E8, s23;
	[tilespmem:s6+$0x0] =	vst v3;
	v3 =	vadd.s32 s14, v2  }
0x10e: {  	s17 =	sadd.s32 s21, s15;
	v8 =	vld.idx.msk [tilespmem:v9+s10+$0x0], $0xffff;
	[tilespmem:s16+$0x0] =	vst v10  }
0x10f: {  	v9 =	vadd.s32 $0x3, v5;
	[tilespmem:s17+$0x0] =	vst v11;
	v10 =	vld.idx.msk [tilespmem:v12+s10+$0x0], $0xffff  }
0x110: {  	v11 =	vld.idx.msk [tilespmem:v13+s10+$0x0], $0xffff;
	v12 =	vadd.s32 $0x5, v4  }
0x111: {  	s18 =	smul.u32 $0x320, s1;
	v13 =	vadd.s32 $0x2, v6;
	v14 =	vld.idx.msk [tilespmem:v7+s10+$0x0], $0xffff  }
0x112: {  	s2 =	sadd.s32 s29, s26;
	s19 =	sadd.s32 $0x109E8, s25;
	v3 =	vld.idx.msk [tilespmem:v3+s8+$0x0], $0xffff  }
0x113: {  	s22 =	sadd.s32 s24, s19;
	s20 =	sadd.s32 $0xB5E8, s23;
	v15 =	vadd.s32 $0x1, v7;
	s6 =	sadd.s32 $0x20, s18;
	[tilespmem:s2+$0x0] =	vst v8  }
0x114: {  	s26 =	sadd.s32 s21, s20;
	v8 =	vadd.s32 s6, v2;
	v9 =	vld.idx.msk [tilespmem:v9+s10+$0x0], $0xffff;
	[tilespmem:s22+$0x0] =	vst v10  }
0x115: {  	s16 =	sshll.u32 s0, $0x4;
	v10 =	vadd.s32 $0x4, v5;
	[tilespmem:s26+$0x0] =	vst v11;
	v11 =	vld.idx.msk [tilespmem:v12+s10+$0x0], $0xffff  }
0x116: {  	s0 =	sadd.s32 s16, s15;
	v12 =	vld.idx.msk [tilespmem:v13+s10+$0x0], $0xffff;
	v13 =	vadd.s32 $0x6, v4  }
0x117: {  	v16 =	vadd.s32 $0x3, v6;
	[tilespmem:s0+$0x0] =	vst v14;
	v3 =	vmul.u32 $0x11, v3  }
0x118: {  	s4 =	sadd.s32 $0x125E8, s25;
	s11 =	sadd.s32 s29, s13;
	v14 =	vld.idx.msk [tilespmem:v15+s10+$0x0], $0xffff  }
0x119: {  	s12 =	sadd.s32 $0xD1E8, s23;
	s13 =	sadd.s32 s24, s4;
	v8 =	vld.idx.msk [tilespmem:v8+s8+$0x0], $0xffff;
	[tilespmem:s11+$0x0] =	vst v9  }
0x11a: {  	s14 =	sadd.s32 s21, s12;
	s15 =	simm.s32 $0x106;
	v15 =	vadd.s32 $0x2, v7;
	v10 =	vld.idx.msk [tilespmem:v10+s10+$0x0], $0xffff;
	[tilespmem:s13+$0x0] =	vst v11  }
0x11b: {  	s18 =	simm.s32 $0x1040;
	s0 =	sand.u32 $0x6, s15;
	v11 =	vadd.s32 $0x5, v5;
	[tilespmem:s14+$0x0] =	vst v12;
	v12 =	vld.idx.msk [tilespmem:v13+s10+$0x0], $0xffff  }
0x11c: {  	s7 =	sadd.s32 s29, s19;
	s9 =	sand.u32 $0x380, s18;
	s3 =	sor.u32 $0x1, s0;
	v13 =	vld.idx.msk [tilespmem:v16+s10+$0x0], $0xffff;
	v16 =	vadd.s32 $0x7, v4  }
0x11d: {  	v18 =	vadd.s32 $0x4, v6;
	s17 =	simm.s32 $0x1040;
	s2 =	sadd.s32 s16, s20;
	s19 =	smul.u32 $0x320, s3;
	v17 =	vld.idx.msk [tilespmem:v3+s10+$0x0], $0xffff  }
0x11e: {  	s11 =	sand.u32 $0x1C00, s17;
	s17 =	sshll.u32 s5, $0x4;
	s5 =	sadd.s32 $0x141E8, s25;
	[tilespmem:s2+$0x0] =	vst v14;
	v9 =	vmul.u32 $0x11, v8;
	v8 =	vadd.s32 $0x1, v3  }
0x11f: {  	s18 =	sor.u32 s9, s11;
	s20 =	sadd.s32 s24, s5;
	v14 =	vld.idx.msk [tilespmem:v15+s10+$0x0], $0xffff;
	[tilespmem:s7+$0x0] =	vst v10;
	s7 =	sadd.s32 $0xEDE8, s23  }
0x120: {  	s2 =	sadd.s32 $0x20, s19;
	s11 =	sadd.s32 $0x99E8, s18;
	v10 =	vadd.s32 $0x3, v7;
	v11 =	vld.idx.msk [tilespmem:v11+s10+$0x0], $0xffff;
	s22 =	sadd.s32 s21, s7;
	[tilespmem:s20+$0x0] =	vst v12  }
0x121: {  	s26 =	sadd.s32 s17, s11;
	v12 =	vadd.s32 s2, v2;
	[tilespmem:s22+$0x0] =	vst v13;
	v13 =	vld.idx.msk [tilespmem:v16+s10+$0x0], $0xffff  }
0x122: {  	v15 =	vadd.s32 $0x6, v5;
	[tilespmem:s26+$0x0] =	vst v17;
	v16 =	vld.idx.msk [tilespmem:v18+s10+$0x0], $0xffff  }
0x123: {  	s9 =	sadd.s32 s16, s12;
	s12 =	smul.u32 $0x320, s0;
	v17 =	vadd.s32 $0x8, v4;
	v8 =	vld.idx.msk [tilespmem:v8+s10+$0x0], $0xffff  }
0x124: {  	[tilespmem:s9+$0x0] =	vst v14;
	v18 =	vadd.s32 $0x5, v6;
	v14 =	vld.idx.msk [tilespmem:v9+s10+$0x0], $0xffff  }
0x125: {  	s15 =	sadd.s32 $0x15DE8, s25;
	v19 =	vadd.s32 $0x2, v3;
	s13 =	sadd.s32 s29, s4;
	s14 =	sadd.s32 $0x20, s12;
	v10 =	vld.idx.msk [tilespmem:v10+s10+$0x0], $0xffff  }
0x126: {  	v20 =	vadd.s32 s14, v2;
	s2 =	sadd.s32 $0x109E8, s23;
	s20 =	sadd.s32 s24, s15;
	[tilespmem:s13+$0x0] =	vst v11;
	v11 =	vld.idx.msk [tilespmem:v12+s8+$0x0], $0xffff  }
0x127: {  	s9 =	sadd.s32 $0xB5E8, s18;
	s22 =	sadd.s32 s21, s2;
	v12 =	vadd.s32 $0x1, v9;
	v15 =	vld.idx.msk [tilespmem:v15+s10+$0x0], $0xffff;
	[tilespmem:s20+$0x0] =	vst v13  }
0x128: {  	s26 =	sadd.s32 s17, s9;
	v13 =	vadd.s32 $0x4, v7;
	[tilespmem:s22+$0x0] =	vst v16;
	v16 =	vld.idx.msk [tilespmem:v17+s10+$0x0], $0xffff  }
0x129: {  	s19 =	sshll.u32 s1, $0x4;
	v17 =	vadd.s32 $0x7, v5;
	[tilespmem:s26+$0x0] =	vst v8;
	v8 =	vld.idx.msk [tilespmem:v18+s10+$0x0], $0xffff  }
0x12a: {  	s1 =	sadd.s32 s19, s11;
	v18 =	vld.idx.msk [tilespmem:v19+s10+$0x0], $0xffff;
	v19 =	vadd.s32 $0x9, v4  }
0x12b: {  	s12 =	sadd.s32 s16, s7;
	[tilespmem:s1+$0x0] =	vst v14;
	v14 =	vld.idx.msk [tilespmem:v20+s8+$0x0], $0xffff;
	v20 =	vadd.s32 $0x6, v6  }
0x12c: {  	s5 =	sadd.s32 s29, s5;
	s1 =	sadd.s32 $0x179E8, s25;
	[tilespmem:s12+$0x0] =	vst v10;
	v4 =	vmul.u32 $0x11, v11;
	v10 =	vld.idx.msk [tilespmem:v12+s10+$0x0], $0xffff;
	v11 =	vadd.s32 $0x3, v3  }
0x12d: {  	s7 =	sadd.s32 $0x125E8, s23;
	s13 =	sadd.s32 s24, s1;
	[tilespmem:s5+$0x0] =	vst v15;
	v12 =	vld.idx.msk [tilespmem:v13+s10+$0x0], $0xffff  }
0x12e: {  	s11 =	sadd.s32 $0xD1E8, s18;
	s14 =	sadd.s32 s21, s7;
	v13 =	vadd.s32 $0x2, v9;
	v15 =	vld.idx.msk [tilespmem:v17+s10+$0x0], $0xffff;
	[tilespmem:s13+$0x0] =	vst v16  }
0x12f: {  	s4 =	sadd.s32 $0xEDE8, s18;
	s20 =	sadd.s32 s17, s11;
	v16 =	vadd.s32 $0x5, v7;
	[tilespmem:s14+$0x0] =	vst v8;
	v8 =	vld.idx.msk [tilespmem:v19+s10+$0x0], $0xffff  }
0x130: {  	s15 =	sadd.s32 s29, s15;
	s2 =	sadd.s32 s16, s2;
	s26 =	simm.s32 $0x108;
	v17 =	vadd.s32 $0x8, v5;
	[tilespmem:s20+$0x0] =	vst v18;
	v18 =	vld.idx.msk [tilespmem:v20+s10+$0x0], $0xffff  }
0x131: {  	s9 =	sadd.s32 s19, s9;
	s22 =	simm.s32 $0x1060;
	s5 =	sand.u32 $0x6, s26;
	v19 =	vadd.s32 $0x7, v6;
	v11 =	vld.idx.msk [tilespmem:v11+s10+$0x0], $0xffff  }
0x132: {  	s6 =	sand.u32 $0x1C00, s22;
	s12 =	simm.s32 $0x1060;
	s28 =	sor.u32 $0x1, s5;
	v23 =	vmul.u32 $0x11, v14;
	[tilespmem:s9+$0x0] =	vst v10;
	v10 =	vadd.s32 $0x4, v3;
	v20 =	vld.idx.msk [tilespmem:v4+s10+$0x0], $0xffff  }
0x133: {  	s14 =	sand.u32 $0x380, s12;
	s13 =	smul.u32 $0x320, s28;
	v13 =	vld.idx.msk [tilespmem:v13+s10+$0x0], $0xffff;
	[tilespmem:s2+$0x0] =	vst v12;
	s2 =	sadd.s32 $0x141E8, s23  }
0x134: {  	s20 =	sshll.u32 s3, $0x4;
	s22 =	sor.u32 s14, s6;
	v12 =	vadd.s32 $0x1, v4;
	v14 =	vld.idx.msk [tilespmem:v16+s10+$0x0], $0xffff;
	[tilespmem:s15+$0x0] =	vst v15;
	s14 =	sadd.s32 s21, s2  }
0x135: {  	s3 =	sadd.s32 $0x21, s13;
	s9 =	sadd.s32 $0x99E8, s22;
	v15 =	vadd.s32 $0x3, v9;
	s15 =	sadd.s32 s17, s4;
	v16 =	vld.idx.msk [tilespmem:v17+s10+$0x0], $0xffff;
	[tilespmem:s14+$0x0] =	vst v18  }
0x136: {  	s6 =	sadd.s32 s20, s9;
	v17 =	vadd.s32 s3, v2;
	[tilespmem:s15+$0x0] =	vst v11;
	v11 =	vld.idx.msk [tilespmem:v19+s10+$0x0], $0xffff  }
0x137: {  	s12 =	sadd.s32 s19, s11;
	s13 =	smul.u32 $0x320, s5;
	v18 =	vadd.s32 $0x6, v7;
	[tilespmem:s6+$0x0] =	vst v20;
	v10 =	vld.idx.msk [tilespmem:v10+s10+$0x0], $0xffff;
	s6 =	sadd.s32 $0x195E8, s25  }
0x138: {  	v19 =	vadd.s32 $0x8, v6;
	[tilespmem:s12+$0x0] =	vst v13;
	v13 =	vld.idx.msk [tilespmem:v23+s10+$0x0], $0xffff;
	s15 =	sadd.s32 s24, s6  }
0x139: {  	v20 =	vadd.s32 $0x5, v3;
	s25 =	sadd.s32 $0x21, s13;
	v12 =	vld.idx.msk [tilespmem:v12+s10+$0x0], $0xffff;
	s24 =	sadd.s32 s16, s7;
	[tilespmem:s15+$0x0] =	vst v8  }
0x13a: {  	s11 =	sadd.s32 $0x15DE8, s23;
	v15 =	vld.idx.msk [tilespmem:v15+s10+$0x0], $0xffff;
	v21 =	vadd.s32 s25, v2;
	s25 =	sadd.s32 s29, s1;
	[tilespmem:s24+$0x0] =	vst v14  }
0x13b: {  	s12 =	sadd.s32 $0x109E8, s18;
	s13 =	sadd.s32 s21, s11;
	v8 =	vadd.s32 $0x2, v4;
	v28 =	vld.idx.msk [tilespmem:v17+s8+$0x0], $0xffff;
	[tilespmem:s25+$0x0] =	vst v16  }
0x13c: {  	v24 =	vadd.s32 $0x4, v9;
	s14 =	sadd.s32 s17, s12;
	s15 =	sadd.s32 $0xB5E8, s22;
	[tilespmem:s13+$0x0] =	vst v11;
	v11 =	vld.idx.msk [tilespmem:v18+s10+$0x0], $0xffff  }
0x13d: {  	v17 =	vadd.s32 $0x1, v23;
	s24 =	sadd.s32 s20, s15;
	[tilespmem:s14+$0x0] =	vst v10;
	v26 =	vld.idx.msk [tilespmem:v19+s10+$0x0], $0xffff  }
0x13e: {  	s25 =	sshll.u32 s5, $0x4;
	s5 =	sadd.s32 s19, s4;
	[tilespmem:s24+$0x0] =	vst v12;
	v12 =	vadd.s32 $0x7, v7;
	s24 =	sshll.u32 s0, $0x4;
	v29 =	vld.idx.msk [tilespmem:v20+s10+$0x0], $0xffff  }
0x13f: {  	v31 =	vadd.s32 $0x9, v6;
	v63 =	vadd.s32 $0x6, v3;
	v22 =	vld.idx.msk [tilespmem:v21+s8+$0x0], $0xffff;
	[tilespmem:s5+$0x0] =	vst v15;
	s1 =	sadd.s32 s24, s9  }
0x140: {  	s2 =	sadd.s32 s16, s2;
	v6 =	vadd.s32 $0x9, v9;
	v14 =	vadd.s32 $0x9, v5;
	v16 =	vadd.s32 $0x8, v7;
	v30 =	vld.idx.msk [tilespmem:v8+s10+$0x0], $0xffff;
	[tilespmem:s1+$0x0] =	vst v13  }
0x141: {  	s29 =	sadd.s32 s29, s6;
	s7 =	sadd.s32 $0x179E8, s23;
	v5 =	vadd.s32 $0x9, v7;
	v25 =	vld.idx.msk [tilespmem:v24+s10+$0x0], $0xffff;
	[tilespmem:s2+$0x0] =	vst v11;
	v11 =	vmul.u32 $0x11, v28;
	v28 =	vadd.s32 $0x3, v4  }
0x142: {  	v18 =	vadd.s32 $0x5, v9;
	v10 =	vadd.s32 $0x7, v9;
	v19 =	vadd.s32 $0x4, v23;
	s0 =	sadd.s32 s16, s11;
	s11 =	sadd.s32 s21, s7;
	s9 =	sadd.s32 $0x125E8, s18;
	v27 =	vld.idx.msk [tilespmem:v17+s10+$0x0], $0xffff  }
0x143: {  	s14 =	sadd.s32 s19, s12;
	s12 =	sadd.s32 $0xD1E8, s22;
	v21 =	vadd.s32 $0x2, v23;
	v20 =	vadd.s32 $0x3, v23;
	v15 =	vadd.s32 $0x6, v23;
	s13 =	sadd.s32 s17, s9;
	[tilespmem:s11+$0x0] =	vst v26;
	v26 =	vld.idx.msk [tilespmem:v12+s10+$0x0], $0xffff  }
0x144: {  	s30 =	sadd.s32 s16, s7;
	v7 =	vadd.s32 $0x9, v23;
	v8 =	vadd.s32 $0x8, v9;
	s5 =	sadd.s32 s24, s15;
	s15 =	sadd.s32 s20, s12;
	v13 =	vadd.s32 $0x6, v9;
	[tilespmem:s13+$0x0] =	vst v29;
	v24 =	vld.idx.msk [tilespmem:v31+s10+$0x0], $0xffff  }
0x145: {  	s3 =	sadd.s32 s24, s12;
	v9 =	vadd.s32 $0x8, v23;
	s31 =	sadd.s32 s19, s9;
	s1 =	simm.s32 $0x1080;
	v17 =	vadd.s32 $0x5, v23;
	v12 =	vadd.s32 $0x7, v23;
	[tilespmem:s15+$0x0] =	vst v30;
	v23 =	vld.idx.msk [tilespmem:v63+s10+$0x0], $0xffff  }
.LBB2_6:
0x146: {  	v22 =	vmul.u32 $0x11, v22;
	s2 =	sand.u32 $0x1C00, s1;
	s4 =	sshll.u32 s26, $0x4;
	s26 =	sadd.s32 $0x2, s26;
	v28 =	vld.idx.msk [tilespmem:v28+s10+$0x0], $0xffff  }
0x147: {  	s6 =	sshrl.u32 s26, $0x3;
	s9 =	sand.u32 $0x6, s26;
	s4 =	sand.u32 $0x380, s4;
	v29 =	vld.idx.msk [tilespmem:v11+s10+$0x0], $0xffff;
	[tilespmem:s5+$0x0] =	vst v27;
	v27 =	vadd.s32 $0x7, v3  }
0x148: {  	v32 =	vadd.s32 $0x4, v4;
	s11 =	sadd.s32 $0x195E8, s23;
	s5 =	sshll.u32 s28, $0x4;
	v30 =	vadd.s32 $0x1, v22;
	s28 =	sor.u32 $0x1, s9;
	v31 =	vld.idx.msk [tilespmem:v21+s10+$0x0], $0xffff;
	v21 =	vadd.s32 $0x2, v22;
	[tilespmem:s14+$0x0] =	vst v25  }
0x149: {  	v34 =	vadd.s32 $0x1, v11;
	s15 =	sadd.s32 $0x141E8, s18;
	v25 =	vadd.s32 $0x3, v22;
	v33 =	vadd.s32 $0x4, v22;
	s14 =	smul.u32 $0x320, s28;
	v35 =	vld.idx.msk [tilespmem:v18+s10+$0x0], $0xffff;
	[tilespmem:s0+$0x0] =	vst v26;
	s0 =	sadd.s32 s21, s11;
	v18 =	vmovc v17  }
0x14a: {  	s7 =	sor.u32 s4, s2;
	v36 =	vadd.s32 $0x7, v22;
	s2 =	sadd.s32 $0xEDE8, s22;
	s4 =	sadd.s32 s17, s15;
	v17 =	vadd.s32 $0x5, v22;
	v26 =	vadd.s32 $0x6, v22;
	v37 =	vld.idx.msk [tilespmem:v16+s10+$0x0], $0xffff;
	[tilespmem:s0+$0x0] =	vst v24;
	v16 =	vmovc v8;
	v8 =	vmovc v9  }
0x14b: {  	s21 =	sadd.s32 s20, s2;
	v9 =	vadd.s32 $0x8, v22;
	s0 =	sadd.s32 s6, s14;
	s14 =	sadd.s32 $0x99E8, s7;
	[tilespmem:s4+$0x0] =	vst v23;
	v23 =	vld.idx.msk [tilespmem:v14+s10+$0x0], $0xffff;
	v14 =	vmovc v5;
	v5 =	vmovc v6;
	v6 =	vmov v7;
	v7 =	vadd.s32 $0x9, v22  }
0x14c: {  	s4 =	smul.u32 $0x320, s9;
	s9 =	sshll.u32 s9, $0x4;
	v24 =	vadd.s32 s0, v2;
	s0 =	sadd.s32 s5, s14;
	[tilespmem:s21+$0x0] =	vst v28;
	v27 =	vld.idx.msk [tilespmem:v27+s10+$0x0], $0xffff  }
0x14d: {  	s13 =	sadd.s32 s24, s2;
	s2 =	sadd.s32 s19, s15;
	s12 =	sadd.s32 s25, s14;
	[tilespmem:s0+$0x0] =	vst v29;
	v28 =	vld.idx.msk [tilespmem:v32+s10+$0x0], $0xffff  }
0x14e: {  	p0 =	slt.u32 s26, $0x18E;
	s0 =	sadd.s32 s6, s4;
	v29 =	vld.idx.msk [tilespmem:v34+s10+$0x0], $0xffff;
	[tilespmem:s3+$0x0] =	vst v31;
	v31 =	vadd.s32 $0x8, v3;
	s3 =	sadd.s32 s16, s11  }
0x14f: {  	s21 =	smov.u32 s17;
	s17 =	smov.u32 s20;
	s20 =	smov.u32 s5;
	v32 =	vadd.s32 s0, v2;
	v34 =	vadd.s32 $0x5, v4;
	v22 =	vld.idx.msk [tilespmem:v22+s10+$0x0], $0xffff;
	[tilespmem:s31+$0x0] =	vst v35  }
0x150: {  	s23 =	smov.u32 s18;
	s4 =	sadd.s32 $0x15DE8, s18;
	s18 =	smov.u32 s22;
	v35 =	vadd.s32 $0x2, v11;
	v38 =	vld.idx.msk [tilespmem:v20+s10+$0x0], $0xffff;
	[tilespmem:s30+$0x0] =	vst v37;
	v20 =	vmov v25  }
0x151: {  	s5 =	sadd.s32 $0x109E8, s18;
	s0 =	sadd.s32 s19, s4;
	s4 =	sadd.s32 s21, s4;
	v24 =	vld.idx.msk [tilespmem:v24+s8+$0x0], $0xffff;
	[tilespmem:s29+$0x0] =	vst v23  }
0x152: {  	s6 =	sadd.s32 $0xB5E8, s7;
	s14 =	sadd.s32 s24, s5;
	s11 =	sadd.s32 s17, s5;
	v23 =	vld.idx.msk [tilespmem:v13+s10+$0x0], $0xffff;
	[tilespmem:s4+$0x0] =	vst v27;
	v13 =	vmov v15;
	v15 =	vmov v26  }
0x153: {  	s22 =	smov.u32 s7;
	s5 =	sadd.s32 s25, s6;
	s4 =	sadd.s32 s20, s6;
	[tilespmem:s11+$0x0] =	vst v28;
	v31 =	vld.idx.msk [tilespmem:v31+s10+$0x0], $0xffff  }
0x154: {  	s16 =	smov.u32 s19;
	s19 =	smov.u32 s24;
	s24 =	smov.u32 s25;
	[tilespmem:s4+$0x0] =	vst v29;
	v29 =	vld.idx.msk [tilespmem:v34+s10+$0x0], $0xffff  }
0x155: {  	s25 =	smov.u32 s9;
	s29 =	smov.u32 s3;
	[tilespmem:s12+$0x0] =	vst v22;
	v34 =	vld.idx.msk [tilespmem:v35+s10+$0x0], $0xffff;
	v35 =	vadd.s32 $0x9, v3;
	v3 =	vmov v4;
	v4 =	vmov v11  }
0x156: {  	v22 =	vld.idx.msk [tilespmem:v32+s8+$0x0], $0xffff;
	[tilespmem:s13+$0x0] =	vst v38;
	v32 =	vadd.s32 $0x6, v3  }
.Ltmp2:
0x157: {  	s3 =	sadd.s32 $0x179E8, s23;
	v11 =	vmul.u32 $0x11, v24;
	v28 =	vadd.s32 $0x3, v4;
	v27 =	vld.idx.msk [tilespmem:v30+s10+$0x0], $0xffff;
	(pc) =	sbr.rel @p0 .LBB2_6-.Ltmp2, $4  }
0x158: {  	s30 =	sadd.s32 s16, s3;
	s4 =	sadd.s32 $0x125E8, s18;
	v25 =	vld.idx.msk [tilespmem:v19+s10+$0x0], $0xffff;
	[tilespmem:s2+$0x0] =	vst v23;
	s2 =	sadd.s32 s21, s3;
	v19 =	vmov v33  }
0x159: {  	s6 =	sadd.s32 $0xD1E8, s22;
	s31 =	sadd.s32 s19, s4;
	s4 =	sadd.s32 s17, s4;
	v26 =	vld.idx.msk [tilespmem:v10+s10+$0x0], $0xffff;
	[tilespmem:s2+$0x0] =	vst v31;
	v10 =	vmov v12;
	v12 =	vmov v36  }
0x15a: {  	s3 =	sadd.s32 s24, s6;
	s2 =	sadd.s32 s20, s6;
	[tilespmem:s4+$0x0] =	vst v29;
	v24 =	vld.idx.msk [tilespmem:v35+s10+$0x0], $0xffff  }
0x15b: {  	s1 =	sadd.s32 $0x20, s1;
	[tilespmem:s2+$0x0] =	vst v34;
	v23 =	vld.idx.msk [tilespmem:v32+s10+$0x0], $0xffff  }
0x15c: {  	v22 =	vmul.u32 $0x11, v22;
	_ =	sdelay $0x3  }
0x15d: {  	s2 =	sshll.u32 s26, $0x4;
	v29 =	vld.idx.msk [tilespmem:v11+s10+$0x0], $0xffff  }
0x15e: {  	s1 =	sand.u32 $0x1C00, s1;
	v30 =	vadd.s32 $0x1, v11;
	s2 =	sand.u32 $0x380, s2  }
0x15f: {  	s26 =	sor.u32 s2, s1;
	v31 =	vld.idx.msk [tilespmem:v22+s10+$0x0], $0xffff  }
0x160: {  	s28 =	sshll.u32 s28, $0x4;
	v32 =	vadd.s32 $0x1, v22;
	s1 =	sadd.s32 $0x99E8, s26  }
0x161: {  	s15 =	sadd.s32 s28, s1  }
0x162: {  	[tilespmem:s15+$0x0] =	vst v29  }
0x163: {  	s1 =	sadd.s32 s25, s1;
	v29 =	vld.idx.msk [tilespmem:v30+s10+$0x0], $0xffff  }
0x164: {  	v53 =	vadd.s32 $0x2, v11;
	[tilespmem:s1+$0x0] =	vst v31  }
0x165: {  	v31 =	vld.idx.msk [tilespmem:v32+s10+$0x0], $0xffff  }
0x166: {  	v54 =	vadd.s32 $0x2, v22;
	s4 =	sadd.s32 $0xB5E8, s26  }
0x167: {  	s6 =	sadd.s32 s28, s4  }
0x168: {  	[tilespmem:s6+$0x0] =	vst v29  }
0x169: {  	[tilespmem:s5+$0x0] =	vst v27;
	s1 =	sadd.s32 s25, s4;
	v55 =	vld.idx.msk [tilespmem:v53+s10+$0x0], $0xffff  }
0x16a: {  	v56 =	vadd.s32 $0x3, v11;
	v21 =	vld.idx.msk [tilespmem:v21+s10+$0x0], $0xffff;
	[tilespmem:s1+$0x0] =	vst v31  }
0x16b: {  	v57 =	vld.idx.msk [tilespmem:v54+s10+$0x0], $0xffff  }
0x16c: {  	v58 =	vadd.s32 $0x3, v22;
	s7 =	sadd.s32 $0xD1E8, s26  }
0x16d: {  	v28 =	vld.idx.msk [tilespmem:v28+s10+$0x0], $0xffff;
	[tilespmem:s14+$0x0] =	vst v25;
	s9 =	sadd.s32 s28, s7  }
0x16e: {  	v14 =	vld.idx.msk [tilespmem:v14+s10+$0x0], $0xffff;
	[tilespmem:s9+$0x0] =	vst v55  }
0x16f: {  	v59 =	vadd.s32 $0x4, v4;
	[tilespmem:s3+$0x0] =	vst v21;
	s1 =	sadd.s32 s25, s7;
	v60 =	vld.idx.msk [tilespmem:v56+s10+$0x0], $0xffff  }
0x170: {  	s11 =	sadd.s32 $0xEDE8, s22;
	v61 =	vadd.s32 $0x4, v11;
	v20 =	vld.idx.msk [tilespmem:v20+s10+$0x0], $0xffff;
	[tilespmem:s1+$0x0] =	vst v57  }
0x171: {  	s12 =	sadd.s32 s20, s11;
	[tilespmem:s0+$0x0] =	vst v26;
	v62 =	vld.idx.msk [tilespmem:v58+s10+$0x0], $0xffff  }
0x172: {  	v63 =	vadd.s32 $0x4, v22;
	v18 =	vld.idx.msk [tilespmem:v18+s10+$0x0], $0xffff;
	s14 =	sadd.s32 $0xEDE8, s26;
	[tilespmem:s12+$0x0] =	vst v28  }
0x173: {  	v16 =	vld.idx.msk [tilespmem:v16+s10+$0x0], $0xffff;
	s15 =	sadd.s32 s28, s14;
	[tilespmem:s29+$0x0] =	vst v14  }
0x174: {  	s2 =	sadd.s32 s24, s11;
	v31 =	vld.idx.msk [tilespmem:v59+s10+$0x0], $0xffff;
	[tilespmem:s15+$0x0] =	vst v60  }
0x175: {  	s0 =	sadd.s32 s25, s14;
	v32 =	vadd.s32 $0x5, v4;
	[tilespmem:s2+$0x0] =	vst v20;
	v33 =	vld.idx.msk [tilespmem:v61+s10+$0x0], $0xffff  }
0x176: {  	v34 =	vadd.s32 $0x5, v11;
	v19 =	vld.idx.msk [tilespmem:v19+s10+$0x0], $0xffff;
	[tilespmem:s0+$0x0] =	vst v62  }
0x177: {  	[tilespmem:s31+$0x0] =	vst v18;
	s1 =	sadd.s32 $0x195E8, s23;
	s23 =	sadd.s32 $0x109E8, s22;
	v35 =	vld.idx.msk [tilespmem:v63+s10+$0x0], $0xffff  }
0x178: {  	v36 =	vadd.s32 $0x5, v22;
	s5 =	sadd.s32 $0x109E8, s26;
	[tilespmem:s30+$0x0] =	vst v16;
	s4 =	sadd.s32 s20, s23  }
0x179: {  	v37 =	vadd.s32 $0x7, v3;
	[tilespmem:s4+$0x0] =	vst v31;
	s4 =	sadd.s32 s28, s5  }
0x17a: {  	v38 =	vld.idx.msk [tilespmem:v32+s10+$0x0], $0xffff;
	[tilespmem:s4+$0x0] =	vst v33;
	s0 =	sadd.s32 s24, s23  }
0x17b: {  	v39 =	vadd.s32 $0x6, v4;
	s3 =	sadd.s32 $0x141E8, s18;
	s6 =	sadd.s32 s25, s5;
	[tilespmem:s0+$0x0] =	vst v19;
	v40 =	vld.idx.msk [tilespmem:v34+s10+$0x0], $0xffff  }
0x17c: {  	v41 =	vadd.s32 $0x6, v11;
	s13 =	sadd.s32 s21, s1;
	s21 =	sadd.s32 s17, s3;
	v17 =	vld.idx.msk [tilespmem:v17+s10+$0x0], $0xffff;
	[tilespmem:s6+$0x0] =	vst v35  }
0x17d: {  	s7 =	sadd.s32 $0x125E8, s22;
	[tilespmem:s21+$0x0] =	vst v23;
	v42 =	vld.idx.msk [tilespmem:v36+s10+$0x0], $0xffff  }
0x17e: {  	v43 =	vadd.s32 $0x6, v22;
	s11 =	sadd.s32 $0x125E8, s26;
	s9 =	sadd.s32 s20, s7;
	[tilespmem:s13+$0x0] =	vst v24;
	v24 =	vld.idx.msk [tilespmem:v37+s10+$0x0], $0xffff  }
0x17f: {  	v44 =	vadd.s32 $0x8, v3;
	s12 =	sadd.s32 s28, s11;
	v13 =	vld.idx.msk [tilespmem:v13+s10+$0x0], $0xffff;
	[tilespmem:s9+$0x0] =	vst v38  }
0x180: {  	s0 =	sadd.s32 s24, s7;
	v45 =	vld.idx.msk [tilespmem:v39+s10+$0x0], $0xffff;
	[tilespmem:s12+$0x0] =	vst v40  }
0x181: {  	v46 =	vadd.s32 $0x7, v4;
	s14 =	sadd.s32 s25, s11;
	s13 =	sadd.s32 $0x15DE8, s18;
	[tilespmem:s0+$0x0] =	vst v17;
	v47 =	vld.idx.msk [tilespmem:v41+s10+$0x0], $0xffff  }
0x182: {  	v48 =	vadd.s32 $0x7, v11;
	s15 =	sadd.s32 s17, s13;
	v15 =	vld.idx.msk [tilespmem:v15+s10+$0x0], $0xffff;
	[tilespmem:s14+$0x0] =	vst v42  }
0x183: {  	s3 =	sadd.s32 s19, s3;
	s21 =	sadd.s32 $0x141E8, s22;
	[tilespmem:s15+$0x0] =	vst v24;
	v49 =	vld.idx.msk [tilespmem:v43+s10+$0x0], $0xffff  }
0x184: {  	v50 =	vadd.s32 $0x7, v22;
	s29 =	sadd.s32 $0x141E8, s26;
	[tilespmem:s3+$0x0] =	vst v13;
	s23 =	sadd.s32 s20, s21;
	v18 =	vld.idx.msk [tilespmem:v44+s10+$0x0], $0xffff  }
0x185: {  	v3 =	vadd.s32 $0x9, v3;
	s30 =	sadd.s32 s28, s29;
	v10 =	vld.idx.msk [tilespmem:v10+s10+$0x0], $0xffff;
	[tilespmem:s23+$0x0] =	vst v45  }
0x186: {  	s0 =	sadd.s32 s24, s21;
	v51 =	vld.idx.msk [tilespmem:v46+s10+$0x0], $0xffff;
	[tilespmem:s30+$0x0] =	vst v47  }
0x187: {  	v52 =	vadd.s32 $0x8, v4;
	s31 =	sadd.s32 $0x179E8, s18;
	s5 =	sadd.s32 s25, s29;
	[tilespmem:s0+$0x0] =	vst v15;
	v53 =	vld.idx.msk [tilespmem:v48+s10+$0x0], $0xffff  }
0x188: {  	v54 =	vadd.s32 $0x8, v11;
	s6 =	sadd.s32 s17, s31;
	v12 =	vld.idx.msk [tilespmem:v12+s10+$0x0], $0xffff;
	[tilespmem:s5+$0x0] =	vst v49  }
0x189: {  	s4 =	sadd.s32 s19, s13;
	s7 =	sadd.s32 $0x15DE8, s22;
	[tilespmem:s6+$0x0] =	vst v18;
	v55 =	vld.idx.msk [tilespmem:v50+s10+$0x0], $0xffff  }
0x18a: {  	s11 =	sadd.s32 $0x15DE8, s26;
	v56 =	vadd.s32 $0x8, v22;
	s9 =	sadd.s32 s20, s7;
	[tilespmem:s4+$0x0] =	vst v10;
	v3 =	vld.idx.msk [tilespmem:v3+s10+$0x0], $0xffff  }
0x18b: {  	v8 =	vld.idx.msk [tilespmem:v8+s10+$0x0], $0xffff;
	s12 =	sadd.s32 s28, s11;
	[tilespmem:s9+$0x0] =	vst v51  }
0x18c: {  	s0 =	sadd.s32 s24, s7;
	v57 =	vld.idx.msk [tilespmem:v52+s10+$0x0], $0xffff;
	[tilespmem:s12+$0x0] =	vst v53  }
0x18d: {  	s2 =	sadd.s32 s25, s11;
	v58 =	vadd.s32 $0x9, v4;
	s13 =	sadd.s32 $0x195E8, s18;
	[tilespmem:s0+$0x0] =	vst v12;
	v59 =	vld.idx.msk [tilespmem:v54+s10+$0x0], $0xffff  }
0x18e: {  	v60 =	vadd.s32 $0x9, v11;
	s14 =	sadd.s32 s17, s13;
	v9 =	vld.idx.msk [tilespmem:v9+s10+$0x0], $0xffff;
	[tilespmem:s2+$0x0] =	vst v55  }
0x18f: {  	s3 =	sadd.s32 s19, s31;
	s15 =	sadd.s32 $0x179E8, s22;
	[tilespmem:s14+$0x0] =	vst v3;
	v3 =	vld.idx.msk [tilespmem:v56+s10+$0x0], $0xffff  }
0x190: {  	v5 =	vld.idx.msk [tilespmem:v5+s10+$0x0], $0xffff;
	v61 =	vadd.s32 $0x9, v22;
	s18 =	sadd.s32 $0x179E8, s26;
	[tilespmem:s3+$0x0] =	vst v8;
	s17 =	sadd.s32 s20, s15  }
0x191: {  	s21 =	sadd.s32 s28, s18;
	v6 =	vld.idx.msk [tilespmem:v6+s10+$0x0], $0xffff;
	[tilespmem:s17+$0x0] =	vst v57  }
0x192: {  	v4 =	vld.idx.msk [tilespmem:v58+s10+$0x0], $0xffff;
	[tilespmem:s21+$0x0] =	vst v59;
	s2 =	sadd.s32 s24, s15  }
0x193: {  	s23 =	sadd.s32 s25, s18;
	[tilespmem:s2+$0x0] =	vst v9;
	v62 =	vld.idx.msk [tilespmem:v60+s10+$0x0], $0xffff  }
0x194: {  	s1 =	sadd.s32 s16, s1;
	[tilespmem:s23+$0x0] =	vst v3;
	v3 =	vld.idx.msk [tilespmem:v7+s10+$0x0], $0xffff  }
0x195: {  	s29 =	sadd.s32 $0x195E8, s22;
	[tilespmem:s1+$0x0] =	vst v5;
	s0 =	sadd.s32 s19, s13;
	v63 =	vld.idx.msk [tilespmem:v61+s10+$0x0], $0xffff  }
0x196: {  	s31 =	sadd.s32 $0x195E8, s26;
	s30 =	sadd.s32 s20, s29;
	[tilespmem:s0+$0x0] =	vst v6  }
0x197: {  	s3 =	sadd.s32 s28, s31;
	[tilespmem:s30+$0x0] =	vst v4  }
0x198: {  	s2 =	sadd.s32 s24, s29;
	[tilespmem:s3+$0x0] =	vst v62  }
0x199: {  	s4 =	sadd.s32 s25, s31;
	[tilespmem:s2+$0x0] =	vst v3  }
0x19a: {  	[tilespmem:s4+$0x0] =	vst v63;
	s4 =	simm.s32 $0x1  }
0x19b: {  	_ =	swait.ge [sflag:s4], $0xA000  }
0x19c: {  	s6 =	simm.s32 $0xA9E8;
	s12 =	simm.s32 $0x400;
	[sflag:s4] =	ssyncset.done $0x0  }
0x19d: {  	s13 =	simm.s32 $0x8000;
	s5 =	rddreg [dreg:$0x6];
	[sflag:s4] =	ssyncadd.s32 $0xFFFF6000  }
0x19e: {  	[hbm4b:s5+s12] =	stream.strided.scatter [tilespmem:s6], [sflag:$0x2], $0xC00, s13, s12, $0x38;
	[tilespmem:$0x1B1E8] =	vst v63  }
0x19f: {  	s9 =	simm.s32 $0xC5E8;
	s7 =	sadd.s32 $0x7000, s5  }
0x1a0: {  	[hbm4b:s7+s12] =	stream.strided.scatter [tilespmem:s9], [sflag:$0x2], $0xC00, s13, s12, $0x38;
	[tilespmem:$0x1B1E8] =	vst v63  }
0x1a1: {  	s14 =	simm.s32 $0xE1E8;
	s11 =	sadd.s32 $0xE000, s5  }
0x1a2: {  	[hbm4b:s11+s12] =	stream.strided.scatter [tilespmem:s14], [sflag:$0x2], $0xC00, s13, s12, $0x38;
	[tilespmem:$0x1B1E8] =	vst v63  }
0x1a3: {  	s16 =	simm.s32 $0xFDE8;
	s15 =	sadd.s32 $0x15000, s5  }
0x1a4: {  	[hbm4b:s15+s12] =	stream.strided.scatter [tilespmem:s16], [sflag:$0x2], $0xC00, s13, s12, $0x38;
	[tilespmem:$0x1B1E8] =	vst v63  }
0x1a5: {  	s18 =	simm.s32 $0x119E8;
	s17 =	sadd.s32 $0x1C000, s5  }
0x1a6: {  	[hbm4b:s17+s12] =	stream.strided.scatter [tilespmem:s18], [sflag:$0x2], $0xC00, s13, s12, $0x38;
	[tilespmem:$0x1B1E8] =	vst v63  }
0x1a7: {  	s20 =	simm.s32 $0x135E8;
	s19 =	sadd.s32 $0x23000, s5  }
0x1a8: {  	[hbm4b:s19+s12] =	stream.strided.scatter [tilespmem:s20], [sflag:$0x2], $0xC00, s13, s12, $0x38;
	[tilespmem:$0x1B1E8] =	vst v63  }
0x1a9: {  	s22 =	simm.s32 $0x151E8;
	s21 =	sadd.s32 $0x2A000, s5  }
0x1aa: {  	[hbm4b:s21+s12] =	stream.strided.scatter [tilespmem:s22], [sflag:$0x2], $0xC00, s13, s12, $0x38;
	[tilespmem:$0x1B1E8] =	vst v63  }
0x1ab: {  	s24 =	simm.s32 $0x16DE8;
	s23 =	sadd.s32 $0x31000, s5  }
0x1ac: {  	[hbm4b:s23+s12] =	stream.strided.scatter [tilespmem:s24], [sflag:$0x2], $0xC00, s13, s12, $0x38;
	[tilespmem:$0x1B1E8] =	vst v63  }
0x1ad: {  	s26 =	simm.s32 $0x189E8;
	s25 =	sadd.s32 $0x38000, s5  }
0x1ae: {  	[hbm4b:s25+s12] =	stream.strided.scatter [tilespmem:s26], [sflag:$0x2], $0xC00, s13, s12, $0x38;
	[tilespmem:$0x1B1E8] =	vst v63  }
0x1af: {  	s1 =	simm.s32 $0x2;
	s29 =	simm.s32 $0x1A5E8;
	s28 =	sadd.s32 $0x3F000, s5  }
0x1b0: {  	[hbm4b:s28+s12] =	stream.strided.scatter [tilespmem:s29], [sflag:$0x2], $0xC00, s13, s12, $0x38;
	[tilespmem:$0x1B1E8] =	vst v63  }
0x1b1: {  	_ =	swait.ge [sflag:s1], $0x7800  }
0x1b2: {  	s30 =	rddreg [dreg:$0x8]  }
0x1b3: {  	s31 =	rddreg [dreg:$0x7];
	s2 =	sadd.s32 $0x1, s30  }
0x1b4: {  	p0 =	sne.s32 s2, s31  }
.Ltmp3:
0x1b5: {  	_ = 	snop;
	(pc) =	sbr.rel @p0 .LBB2_1-.Ltmp3, $3  }
0x1b6: {  	_ =	sdelay $0x1  }
0x1b7: {  	[sflag:s1] =	ssyncset.done $0x0  }
0x1b8: {  	[sflag:s1] =	ssyncadd.s32 $0xFFFF8800  }
0x1b9: {  	_ =	sfence.sel $0x180000  }
0x1ba: {  	[bflag:$0x0] =	sbarrier.arrive $0xFFFF  }
0x1bb: {  	_ =	strace $0x90000047  }
0x1bc: {  	s0 =	stileid.u32;
	[bflag:$0x2] =	sbarrier.arrive $0xFFFF  }
0x1bd: {  	p0 =	sne.s32 s0, $0x0;
	s0 =	rddreg [dreg:$0x2]  }
0x1be: {  	s0 =	sadd.s32 @!p0 $0x100000, s0  }
0x1bf: {  	[sflag:s0] =	ssyncadd.tile.s32 @!p0 $0x1;
	_ =	shalt  }
.Lfunc_end2:
_tile_overlayer_lowered:
.L_overlay_start_2:
0x1c0: {  	(tag) =	ssettag $0x2  }
0x1c1: {  	s0 =	rddreg [dreg:$0x0];
	s2 =	stileid.u32  }
0x1c2: {  	s1 =	rddreg [dreg:$0x1];
	p0 =	sne.s32 s2, $0x0  }
0x1c3: {  	s3 =	rddreg [dreg:$0x2];
	[bflag:$0x3] =	sbarrier.arrive $0xFFFF;
	s2 =	simm.s32 @!p0 $0x1C02  }
0x1c4: {  	[timem:s3], [sflag:s2] =	dma.local @!p0 [hbm:s0], s1  }
0x1c5: {  	s0 =	simm.s32 @!p0 $0x2  }
0x1c6: {  	_ =	swait.ge @!p0 [sflag:s0], s1  }
0x1c7: {  	s1 =	ssub.s32 @!p0 $0x0, s1;
	[sflag:s0] =	ssyncset.done @!p0 $0x0  }
0x1c8: {  	[sflag:s0] =	ssyncadd.s32 @!p0 s1  }
0x1c9: {  	[bflag:$0x3] =	sbarrier.arrive $0xFFFF  }
0x1ca: {  	_ =	shalt  }

</sc_bundles>
